<compile_context>
chip_gen: v7x
topology: tpu7x:2x2x1
jax: 0.10.2.dev20260603
libtpu: 0.0.44.dev20260713+nightly
codegen_flags: <defaults>
</compile_context>

<pallas_src>
import jax
import jax.numpy as jnp
from jax import lax
from jax.experimental import pallas as pl
from jax.experimental.pallas import tpu as pltpu
from jax.experimental.pallas import tpu_sc as plsc

CODEBOOK_NUM = 2
CENTROIDS = 256
BLOCK = 64
ROWS = 4096
COLS = 4096
NUMEL = ROWS * COLS
NVEC = NUMEL // 4
NBLOCKS = NUMEL // BLOCK

NUM_WORKERS = 32
BAND_ROWS = 8
NBANDS = ROWS // BAND_ROWS
BANDS_W = NBANDS // NUM_WORKERS
VC = BAND_ROWS * COLS // 4
ITERS = VC // 16
NPH = 3


def _vperm(vec, idx):
    dnums = lax.GatherDimensionNumbers(
        offset_dims=(), collapsed_slice_dims=(0,), start_index_map=(0,))
    return lax.gather(vec, idx[:, None], dimension_numbers=dnums,
                      slice_sizes=(1,),
                      mode=lax.GatherScatterMode.PROMISE_IN_BOUNDS)


def _body(codes_hbm, table_hbm, scales_hbm, out_hbm, table_v, *scratch):
    nc = plsc.get_sparse_core_info().num_cores
    wid = lax.axis_index("s") * nc + lax.axis_index("c")

    cb_row = wid // (NUM_WORKERS // CODEBOOK_NUM)
    cb_off = (cb_row * CENTROIDS * 4).astype(jnp.int32)
    lane = lax.iota(jnp.int32, 16)
    laneoff = (lane & 3) + cb_off
    rep = [(lane >> 2) + 4 * r for r in range(4)]

    cbufs = scratch[0:NPH]
    sbufs = scratch[NPH:2 * NPH]
    obufs = scratch[2 * NPH:3 * NPH]
    in_sems = scratch[3 * NPH:4 * NPH]
    out_sems = scratch[4 * NPH:5 * NPH]

    def start_in(k, cbuf, sbuf, sem):
        b = wid * BANDS_W + k
        col0 = pl.multiple_of((b % (NBANDS // CODEBOOK_NUM)) * VC, VC)
        pltpu.async_copy(codes_hbm.at[cb_row, pl.ds(col0, VC)], cbuf, sem)
        pltpu.async_copy(
            scales_hbm.at[pl.ds(pl.multiple_of(b * (VC // 16), VC // 16),
                                VC // 16)],
            sbuf, sem)

    def out_slice(b):
        return out_hbm.at[pl.ds(pl.multiple_of(b * BAND_ROWS, BAND_ROWS),
                                BAND_ROWS), :]

    def compute(cbuf, sbuf, obuf):
        @plsc.parallel_loop(0, ITERS, 1, unroll=4)
        def vec_body(t):
            c = cbuf[pl.ds(t * 16, 16)]
            svec = plsc.load_gather(sbuf, [jnp.full((16,), t, jnp.int32)])
            c4 = c * 4
            row = t >> 6
            base = (t & 63) * 64
            for r in range(4):
                crep = _vperm(c4, rep[r])
                vals = plsc.load_gather(table_v, [crep + laneoff])
                obuf[row, pl.ds(base + r * 16, 16)] = vals * svec

    start_in(0, cbufs[0], sbufs[0], in_sems[0])
    start_in(1, cbufs[1], sbufs[1], in_sems[1])
    pltpu.sync_copy(table_hbm, table_v)

    nph = len(obufs)

    def band_step(k, phase, wait_out):
        cbuf, sbuf, obuf = cbufs[phase], sbufs[phase], obufs[phase]
        in_sem, out_sem = in_sems[phase], out_sems[phase]
        b = wid * BANDS_W + k

        pltpu.make_async_copy(codes_hbm.at[cb_row, pl.ds(0, VC)],
                              cbuf, in_sem).wait()
        pltpu.make_async_copy(scales_hbm.at[pl.ds(0, VC // 16)],
                              sbuf, in_sem).wait()

        @pl.when(wait_out)
        def _():
            pltpu.make_async_copy(obuf, out_slice(b), out_sem).wait()

        compute(cbuf, sbuf, obuf)
        pltpu.async_copy(obuf, out_slice(b), out_sem)

        p2 = (phase + 2) % nph

        @pl.when(k + 2 < BANDS_W)
        def _():
            start_in(k + 2, cbufs[p2], sbufs[p2], in_sems[p2])

    nfull = BANDS_W // nph

    def step(m, _):
        for phase in range(nph):
            band_step(nph * m + phase, phase, m > 0)
        return 0

    lax.fori_loop(0, nfull, step, 0)
    for k in range(nfull * nph, BANDS_W):
        band_step(k, k % nph, jnp.bool_(True))
    for phase in range(nph):
        pltpu.make_async_copy(obufs[phase], out_slice(0),
                              out_sems[phase]).wait()


@jax.jit
def _dequant(codes, table_flat, scales_flat):
    mesh = plsc.VectorSubcoreMesh(core_axis_name="c", subcore_axis_name="s")
    run = pl.kernel(
        _body,
        out_type=jax.ShapeDtypeStruct((ROWS, COLS), jnp.float32),
        mesh=mesh,
        scratch_types=(
            [pltpu.VMEM((CODEBOOK_NUM * CENTROIDS * 4,), jnp.float32)]
            + [pltpu.VMEM((VC,), jnp.int32)] * NPH
            + [pltpu.VMEM((VC // 16,), jnp.float32)] * NPH
            + [pltpu.VMEM((BAND_ROWS, COLS), jnp.float32)] * NPH
            + [pltpu.SemaphoreType.DMA] * (2 * NPH)
        ),
        compiler_params=pltpu.CompilerParams(needs_layout_passes=False,
                                             use_tc_tiling_on_sc=True),
    )
    return run(codes, table_flat, scales_flat)


def kernel(codes, codebooks, scales):
    table_flat = codebooks.reshape(CODEBOOK_NUM * CENTROIDS * 4)
    scales_flat = scales.reshape(NBLOCKS)
    return _dequant(codes, table_flat, scales_flat)

# --- scband reference (transcript-rebuilt; emitter-appended) ---
"""Pipeline reference for scband-quantization-62148176773135 (READ-ONLY COPY).

The authoritative reference and input builder live on the scoring server;
editing this copy changes nothing except your own understanding.
"""

import jax, jax.numpy as jnp
import numpy as np

CODEBOOK_NUM = 2
CENTROIDS = 256
BLOCK = 64
ROWS = 4096
COLS = 4096
NUMEL = ROWS * COLS
NVEC = NUMEL // 4
NBLOCKS = NUMEL // BLOCK


def setup_inputs(seed: int = 0) -> dict:
    key = jax.random.key(seed)
    k1, k2, k3 = jax.random.split(key, 3)
    codes = jax.random.randint(k1, (CODEBOOK_NUM, NVEC // CODEBOOK_NUM), 0, CENTROIDS, dtype=jnp.int32)
    codebooks = jax.random.normal(k2, (CODEBOOK_NUM, CENTROIDS, 4), dtype=jnp.float32)
    scales = jax.random.uniform(k3, (NBLOCKS, 1), dtype=jnp.float32) + 0.5
    return {"codes": codes, "codebooks": codebooks, "scales": scales}


def reference(codes, codebooks, scales):
    # Quantization.differentiable_dequantize:
    # 1) offset each codebook's codes into the flattened codebook index space
    offs = (jnp.arange(CODEBOOK_NUM, dtype=codes.dtype) * CENTROIDS)[:, None]
    flat_codes = (codes + offs).reshape(-1)  # [NVEC]
    # 2) embedding_bag with offsets=arange (bag size 1) == plain embedding gather
    cb_flat = codebooks.reshape(CODEBOOK_NUM * CENTROIDS, 4)  # flatten(0,1)
    rec = jnp.take(cb_flat, flat_codes, axis=0)  # [NVEC, 4]
    # 3) regroup into blocks and re-apply per-block L2 scales
    rec = rec.reshape(NBLOCKS, BLOCK) * scales
    return rec.reshape(ROWS, COLS)

if __name__ == "__main__":
    import jax
    _d = setup_inputs()
    print(jax.jit(kernel)(*tuple(_d.values())))

</pallas_src>

<mosaic_0001>
#map = affine_map<(d0, d1) -> (0, 0)>
#map1 = affine_map<(d0, d1) -> (0)>
module attributes {stable_mosaic.version = 14 : i64} {
  func.func @_body(%arg0: i32, %arg1: i32, %arg2: memref<2x2097152xi32, #tpu.memory_space<hbm>>, %arg3: memref<2048xf32, #tpu.memory_space<hbm>>, %arg4: memref<262144xf32, #tpu.memory_space<hbm>>, %arg5: memref<4096x4096xf32, #tpu.memory_space<hbm>>, %arg6: memref<2048xf32, #tpu.memory_space<vmem>>, %arg7: memref<8192xi32, #tpu.memory_space<vmem>>, %arg8: memref<8192xi32, #tpu.memory_space<vmem>>, %arg9: memref<8192xi32, #tpu.memory_space<vmem>>, %arg10: memref<512xf32, #tpu.memory_space<vmem>>, %arg11: memref<512xf32, #tpu.memory_space<vmem>>, %arg12: memref<512xf32, #tpu.memory_space<vmem>>, %arg13: memref<8x4096xf32, #tpu.memory_space<vmem>>, %arg14: memref<8x4096xf32, #tpu.memory_space<vmem>>, %arg15: memref<8x4096xf32, #tpu.memory_space<vmem>>, %arg16: memref<!tpu.dma_semaphore, #tpu.memory_space<semaphore_mem>>, %arg17: memref<!tpu.dma_semaphore, #tpu.memory_space<semaphore_mem>>, %arg18: memref<!tpu.dma_semaphore, #tpu.memory_space<semaphore_mem>>, %arg19: memref<!tpu.dma_semaphore, #tpu.memory_space<semaphore_mem>>, %arg20: memref<!tpu.dma_semaphore, #tpu.memory_space<semaphore_mem>>, %arg21: memref<!tpu.dma_semaphore, #tpu.memory_space<semaphore_mem>>) attributes {dimension_semantics = [#tpu.dimension_semantics<core_parallel>, #tpu.dimension_semantics<subcore_parallel>], iteration_bounds = array<i64: 2, 16>, scalar_prefetch = 0 : i64, scratch_operands = 16 : i64, tpu.core_type = #tpu.core_type<sc_vector_subcore>, window_params = [{transform_indices = #map}, {transform_indices = #map1}, {transform_indices = #map1}, {transform_indices = #map}]} {
    %mul3A = arith.constant 2 : i32
    %mul3A_0 = arith.muli %arg1, %mul3A : i32
    %add3A = arith.addi %mul3A_0, %arg0 : i32
    %jit3A = arith.constant 16 : i32
    %div3A = arith.divsi %add3A, %jit3A : i32
    %sign3A = arith.constant 0 : i32
    %sign3A_1 = arith.cmpi sgt, %add3A, %sign3A : i32
    %sign3A_2 = arith.extui %sign3A_1 : i1 to i32
    %sign3A_3 = arith.constant 0 : i32
    %sign3A_4 = arith.cmpi slt, %add3A, %sign3A_3 : i32
    %sign3A_5 = arith.extui %sign3A_4 : i1 to i32
    %sign3A_6 = arith.subi %sign3A_2, %sign3A_5 : i32
    %sign3A_7 = arith.constant 0 : i32
    %sign3A_8 = arith.cmpi sgt, %jit3A, %sign3A_7 : i32
    %sign3A_9 = arith.extui %sign3A_8 : i1 to i32
    %sign3A_10 = arith.constant 0 : i32
    %sign3A_11 = arith.cmpi slt, %jit3A, %sign3A_10 : i32
    %sign3A_12 = arith.extui %sign3A_11 : i1 to i32
    %sign3A_13 = arith.subi %sign3A_9, %sign3A_12 : i32
    %ne3A = arith.cmpi ne, %sign3A_6, %sign3A_13 : i32
    %rem3A = arith.remsi %add3A, %jit3A : i32
    %ne3A_14 = arith.constant 0 : i32
    %ne3A_15 = arith.cmpi ne, %rem3A, %ne3A_14 : i32
    %and3A = arith.andi %ne3A, %ne3A_15 : i1
    %sub3A = arith.constant 1 : i32
    %sub3A_16 = arith.subi %div3A, %sub3A : i32
    %select_n3A = arith.select %and3A, %sub3A_16, %div3A : i32
    %mul3A_17 = arith.constant 256 : i32
    %mul3A_18 = arith.muli %select_n3A, %mul3A_17 : i32
    %mul3A_19 = arith.constant 4 : i32
    %mul3A_20 = arith.muli %mul3A_18, %mul3A_19 : i32
    %iota3A = tpu.iota {dimensions = array<i32: 0>} : vector<16xi32>
    %and3A_21 = arith.constant 3 : i32
    %and3A_22 = vector.broadcast %and3A_21 : i32 to vector<16xi32>
    %and3A_23 = arith.andi %iota3A, %and3A_22 : vector<16xi32>
    %add3A_24 = vector.broadcast %mul3A_20 : i32 to vector<16xi32>
    %add3A_25 = arith.addi %and3A_23, %add3A_24 : vector<16xi32>
    %shift_right_arithmetic3A = arith.constant 2 : i32
    %shift_right_arithmetic3A_26 = vector.broadcast %shift_right_arithmetic3A : i32 to vector<16xi32>
    %shift_right_arithmetic3A_27 = arith.shrsi %iota3A, %shift_right_arithmetic3A_26 : vector<16xi32>
    %add3A_28 = arith.constant 0 : i32
    %add3A_29 = vector.broadcast %add3A_28 : i32 to vector<16xi32>
    %add3A_30 = arith.addi %shift_right_arithmetic3A_27, %add3A_29 : vector<16xi32>
    %shift_right_arithmetic3A_31 = arith.constant 2 : i32
    %shift_right_arithmetic3A_32 = vector.broadcast %shift_right_arithmetic3A_31 : i32 to vector<16xi32>
    %shift_right_arithmetic3A_33 = arith.shrsi %iota3A, %shift_right_arithmetic3A_32 : vector<16xi32>
    %add3A_34 = arith.constant 4 : i32
    %add3A_35 = vector.broadcast %add3A_34 : i32 to vector<16xi32>
    %add3A_36 = arith.addi %shift_right_arithmetic3A_33, %add3A_35 : vector<16xi32>
    %shift_right_arithmetic3A_37 = arith.constant 2 : i32
    %shift_right_arithmetic3A_38 = vector.broadcast %shift_right_arithmetic3A_37 : i32 to vector<16xi32>
    %shift_right_arithmetic3A_39 = arith.shrsi %iota3A, %shift_right_arithmetic3A_38 : vector<16xi32>
    %add3A_40 = arith.constant 8 : i32
    %add3A_41 = vector.broadcast %add3A_40 : i32 to vector<16xi32>
    %add3A_42 = arith.addi %shift_right_arithmetic3A_39, %add3A_41 : vector<16xi32>
    %shift_right_arithmetic3A_43 = arith.constant 2 : i32
    %shift_right_arithmetic3A_44 = vector.broadcast %shift_right_arithmetic3A_43 : i32 to vector<16xi32>
    %shift_right_arithmetic3A_45 = arith.shrsi %iota3A, %shift_right_arithmetic3A_44 : vector<16xi32>
    %add3A_46 = arith.constant 12 : i32
    %add3A_47 = vector.broadcast %add3A_46 : i32 to vector<16xi32>
    %add3A_48 = arith.addi %shift_right_arithmetic3A_45, %add3A_47 : vector<16xi32>
    %mul3A_49 = arith.constant 16 : i32
    %mul3A_50 = arith.muli %add3A, %mul3A_49 : i32
    %add3A_51 = arith.constant 0 : i32
    %add3A_52 = arith.addi %mul3A_50, %add3A_51 : i32
    %jit3A_53 = arith.constant 256 : i32
    %eq3A = arith.constant 0 : i32
    %eq3A_54 = arith.cmpi eq, %jit3A_53, %eq3A : i32
    %jit3A_55 = arith.constant 1 : i32
    %select_n3A_56 = arith.select %eq3A_54, %jit3A_55, %jit3A_53 : i32
    %rem3A_57 = arith.remsi %add3A_52, %select_n3A_56 : i32
    %ne3A_58 = arith.constant 0 : i32
    %ne3A_59 = arith.cmpi ne, %rem3A_57, %ne3A_58 : i32
    %lt3A = arith.constant 0 : i32
    %lt3A_60 = arith.cmpi slt, %rem3A_57, %lt3A : i32
    %lt3A_61 = arith.constant 0 : i32
    %lt3A_62 = arith.cmpi slt, %select_n3A_56, %lt3A_61 : i32
    %ne3A_63 = arith.xori %lt3A_60, %lt3A_62 : i1
    %and3A_64 = arith.andi %ne3A_63, %ne3A_59 : i1
    %add3A_65 = arith.addi %rem3A_57, %select_n3A_56 : i32
    %select_n3A_66 = arith.select %and3A_64, %add3A_65, %rem3A_57 : i32
    %mul3A_67 = arith.constant 8192 : i32
    %mul3A_68 = arith.muli %select_n3A_66, %mul3A_67 : i32
    %multiple_of3A = tpu.assume_multiple %mul3A_68, 8192 : i32
    %dma_start3A = tpu.memref_slice %arg2[%select_n3A, %multiple_of3A] : memref<2x2097152xi32, #tpu.memory_space<hbm>> -> memref<1x8192xi32, #tpu.memory_space<hbm>>
    %dma_start3A_69 = tpu.memref_squeeze %dma_start3A : memref<1x8192xi32, #tpu.memory_space<hbm>> -> memref<8192xi32, #tpu.memory_space<hbm>>
    %dma_start3A_70 = tpu.memref_slice %arg2[%select_n3A, %multiple_of3A] : memref<2x2097152xi32, #tpu.memory_space<hbm>> -> memref<1x8192xi32, #tpu.memory_space<hbm>>
    %dma_start3A_71 = tpu.memref_squeeze %dma_start3A_70 : memref<1x8192xi32, #tpu.memory_space<hbm>> -> memref<8192xi32, #tpu.memory_space<hbm>>
    tpu.enqueue_dma source(%dma_start3A_71 : memref<8192xi32, #tpu.memory_space<hbm>>) target(%arg7 : memref<8192xi32, #tpu.memory_space<vmem>>) target_semaphore(%arg16 : memref<!tpu.dma_semaphore, #tpu.memory_space<semaphore_mem>>)
    %mul3A_72 = arith.constant 512 : i32
    %mul3A_73 = arith.muli %add3A_52, %mul3A_72 : i32
    %multiple_of3A_74 = tpu.assume_multiple %mul3A_73, 512 : i32
    %dma_start3A_75 = tpu.memref_slice %arg4[%multiple_of3A_74] : memref<262144xf32, #tpu.memory_space<hbm>> -> memref<512xf32, #tpu.memory_space<hbm>>
    %dma_start3A_76 = tpu.memref_slice %arg4[%multiple_of3A_74] : memref<262144xf32, #tpu.memory_space<hbm>> -> memref<512xf32, #tpu.memory_space<hbm>>
    tpu.enqueue_dma source(%dma_start3A_76 : memref<512xf32, #tpu.memory_space<hbm>>) target(%arg10 : memref<512xf32, #tpu.memory_space<vmem>>) target_semaphore(%arg16 : memref<!tpu.dma_semaphore, #tpu.memory_space<semaphore_mem>>)
    %mul3A_77 = arith.constant 16 : i32
    %mul3A_78 = arith.muli %add3A, %mul3A_77 : i32
    %add3A_79 = arith.constant 1 : i32
    %add3A_80 = arith.addi %mul3A_78, %add3A_79 : i32
    %jit3A_81 = arith.constant 256 : i32
    %eq3A_82 = arith.constant 0 : i32
    %eq3A_83 = arith.cmpi eq, %jit3A_81, %eq3A_82 : i32
    %jit3A_84 = arith.constant 1 : i32
    %select_n3A_85 = arith.select %eq3A_83, %jit3A_84, %jit3A_81 : i32
    %rem3A_86 = arith.remsi %add3A_80, %select_n3A_85 : i32
    %ne3A_87 = arith.constant 0 : i32
    %ne3A_88 = arith.cmpi ne, %rem3A_86, %ne3A_87 : i32
    %lt3A_89 = arith.constant 0 : i32
    %lt3A_90 = arith.cmpi slt, %rem3A_86, %lt3A_89 : i32
    %lt3A_91 = arith.constant 0 : i32
    %lt3A_92 = arith.cmpi slt, %select_n3A_85, %lt3A_91 : i32
    %ne3A_93 = arith.xori %lt3A_90, %lt3A_92 : i1
    %and3A_94 = arith.andi %ne3A_93, %ne3A_88 : i1
    %add3A_95 = arith.addi %rem3A_86, %select_n3A_85 : i32
    %select_n3A_96 = arith.select %and3A_94, %add3A_95, %rem3A_86 : i32
    %mul3A_97 = arith.constant 8192 : i32
    %mul3A_98 = arith.muli %select_n3A_96, %mul3A_97 : i32
    %multiple_of3A_99 = tpu.assume_multiple %mul3A_98, 8192 : i32
    %dma_start3A_100 = tpu.memref_slice %arg2[%select_n3A, %multiple_of3A_99] : memref<2x2097152xi32, #tpu.memory_space<hbm>> -> memref<1x8192xi32, #tpu.memory_space<hbm>>
    %dma_start3A_101 = tpu.memref_squeeze %dma_start3A_100 : memref<1x8192xi32, #tpu.memory_space<hbm>> -> memref<8192xi32, #tpu.memory_space<hbm>>
    %dma_start3A_102 = tpu.memref_slice %arg2[%select_n3A, %multiple_of3A_99] : memref<2x2097152xi32, #tpu.memory_space<hbm>> -> memref<1x8192xi32, #tpu.memory_space<hbm>>
    %dma_start3A_103 = tpu.memref_squeeze %dma_start3A_102 : memref<1x8192xi32, #tpu.memory_space<hbm>> -> memref<8192xi32, #tpu.memory_space<hbm>>
    tpu.enqueue_dma source(%dma_start3A_103 : memref<8192xi32, #tpu.memory_space<hbm>>) target(%arg8 : memref<8192xi32, #tpu.memory_space<vmem>>) target_semaphore(%arg17 : memref<!tpu.dma_semaphore, #tpu.memory_space<semaphore_mem>>)
    %mul3A_104 = arith.constant 512 : i32
    %mul3A_105 = arith.muli %add3A_80, %mul3A_104 : i32
    %multiple_of3A_106 = tpu.assume_multiple %mul3A_105, 512 : i32
    %dma_start3A_107 = tpu.memref_slice %arg4[%multiple_of3A_106] : memref<262144xf32, #tpu.memory_space<hbm>> -> memref<512xf32, #tpu.memory_space<hbm>>
    %dma_start3A_108 = tpu.memref_slice %arg4[%multiple_of3A_106] : memref<262144xf32, #tpu.memory_space<hbm>> -> memref<512xf32, #tpu.memory_space<hbm>>
    tpu.enqueue_dma source(%dma_start3A_108 : memref<512xf32, #tpu.memory_space<hbm>>) target(%arg11 : memref<512xf32, #tpu.memory_space<vmem>>) target_semaphore(%arg17 : memref<!tpu.dma_semaphore, #tpu.memory_space<semaphore_mem>>)
    "tpu.region"() ({
      %run_scoped3A = tpu.sem_alloc : memref<!tpu.dma_semaphore, #tpu.memory_space<semaphore_mem>>
      tpu.enqueue_dma source(%arg3 : memref<2048xf32, #tpu.memory_space<hbm>>) target(%arg6 : memref<2048xf32, #tpu.memory_space<vmem>>) target_semaphore(%run_scoped3A : memref<!tpu.dma_semaphore, #tpu.memory_space<semaphore_mem>>)
      tpu.wait_dma2 semaphore(%run_scoped3A : memref<!tpu.dma_semaphore, #tpu.memory_space<semaphore_mem>>) src(%arg3 : memref<2048xf32, #tpu.memory_space<hbm>>) dst(%arg6 : memref<2048xf32, #tpu.memory_space<vmem>>)
      tpu.yield
    }) : () -> ()
    %scan3A = arith.constant 0 : i32
    %scan3A_109 = arith.constant 0 : i32
    %scan3A_110 = arith.constant 5 : i32
    %scan3A_111 = arith.addi %scan3A_109, %scan3A_110 : i32
    %scan3A_112 = arith.constant 1 : i32
    %scan3A_113 = scf.for %scan3A_162 = %scan3A_109 to %scan3A_111 step %scan3A_112 iter_args(%scan3A_163 = %scan3A) -> (i32)  : i32 {
      %mul3A_164 = arith.constant 3 : i32
      %mul3A_165 = arith.muli %mul3A_164, %scan3A_162 : i32
      %add3A_166 = arith.constant 0 : i32
      %add3A_167 = arith.addi %mul3A_165, %add3A_166 : i32
      %gt3A = arith.constant 0 : i32
      %gt3A_168 = arith.cmpi sgt, %scan3A_162, %gt3A : i32
      %mul3A_169 = arith.constant 16 : i32
      %mul3A_170 = arith.muli %add3A, %mul3A_169 : i32
      %add3A_171 = arith.addi %mul3A_170, %add3A_167 : i32
      %dma_wait3A_172 = arith.constant 0 : i32
      %dma_wait3A_173 = tpu.memref_slice %arg2[%select_n3A, %dma_wait3A_172] : memref<2x2097152xi32, #tpu.memory_space<hbm>> -> memref<1x8192xi32, #tpu.memory_space<hbm>>
      %dma_wait3A_174 = tpu.memref_squeeze %dma_wait3A_173 : memref<1x8192xi32, #tpu.memory_space<hbm>> -> memref<8192xi32, #tpu.memory_space<hbm>>
      %dma_wait3A_175 = arith.constant 0 : i32
      %dma_wait3A_176 = tpu.memref_slice %arg2[%select_n3A, %dma_wait3A_175] : memref<2x2097152xi32, #tpu.memory_space<hbm>> -> memref<1x8192xi32, #tpu.memory_space<hbm>>
      %dma_wait3A_177 = tpu.memref_squeeze %dma_wait3A_176 : memref<1x8192xi32, #tpu.memory_space<hbm>> -> memref<8192xi32, #tpu.memory_space<hbm>>
      tpu.wait_dma2 semaphore(%arg16 : memref<!tpu.dma_semaphore, #tpu.memory_space<semaphore_mem>>) src(%dma_wait3A_177 : memref<8192xi32, #tpu.memory_space<hbm>>) dst(%arg7 : memref<8192xi32, #tpu.memory_space<vmem>>)
      %dma_wait3A_178 = arith.constant 0 : i32
      %dma_wait3A_179 = tpu.memref_slice %arg4[%dma_wait3A_178] : memref<262144xf32, #tpu.memory_space<hbm>> -> memref<512xf32, #tpu.memory_space<hbm>>
      %dma_wait3A_180 = arith.constant 0 : i32
      %dma_wait3A_181 = tpu.memref_slice %arg4[%dma_wait3A_180] : memref<262144xf32, #tpu.memory_space<hbm>> -> memref<512xf32, #tpu.memory_space<hbm>>
      tpu.wait_dma2 semaphore(%arg16 : memref<!tpu.dma_semaphore, #tpu.memory_space<semaphore_mem>>) src(%dma_wait3A_181 : memref<512xf32, #tpu.memory_space<hbm>>) dst(%arg10 : memref<512xf32, #tpu.memory_space<vmem>>)
      %convert_element_type3A = arith.extui %gt3A_168 : i1 to i32
      %cond3A_182 = arith.constant 0 : i32
      %cond3A_183 = arith.cmpi ne, %convert_element_type3A, %cond3A_182 : i32
      scf.if %cond3A_183 {
        %mul3A_280 = arith.constant 8 : i32
        %mul3A_281 = arith.muli %add3A_171, %mul3A_280 : i32
        %multiple_of3A_282 = tpu.assume_multiple %mul3A_281, 8 : i32
        %dma_wait3A_283 = arith.constant 0 : i32
        %dma_wait3A_284 = tpu.memref_slice %arg5[%multiple_of3A_282, %dma_wait3A_283] : memref<4096x4096xf32, #tpu.memory_space<hbm>> -> memref<8x4096xf32, #tpu.memory_space<hbm>>
        %dma_wait3A_285 = arith.constant 0 : i32
        %dma_wait3A_286 = tpu.memref_slice %arg5[%multiple_of3A_282, %dma_wait3A_285] : memref<4096x4096xf32, #tpu.memory_space<hbm>> -> memref<8x4096xf32, #tpu.memory_space<hbm>>
        tpu.wait_dma2 semaphore(%arg19 : memref<!tpu.dma_semaphore, #tpu.memory_space<semaphore_mem>>) src(%arg13 : memref<8x4096xf32, #tpu.memory_space<vmem>>) dst(%dma_wait3A_286 : memref<8x4096xf32, #tpu.memory_space<hbm>>)
      } else {
      }
      %parallel_loop3A_184 = arith.constant 0 : i32
      %parallel_loop3A_185 = arith.constant 512 : i32
      %parallel_loop3A_186 = arith.constant 1 : i32
      scf.for %parallel_loop3A_280 = %parallel_loop3A_184 to %parallel_loop3A_185 step %parallel_loop3A_186  : i32 {
        %parallel_loop3A_281 = arith.constant 16 : i32
        %parallel_loop3A_282 = arith.muli %parallel_loop3A_280, %parallel_loop3A_281 : i32
        %parallel_loop3A_283 = arith.index_cast %parallel_loop3A_282 : i32 to index
        %parallel_loop3A_284 = tpu.vector_load %arg7[%parallel_loop3A_283] {strides = array<i32>} : memref<8192xi32, #tpu.memory_space<vmem>>, vector<16xi32>,
        %parallel_loop3A_285 = vector.broadcast %parallel_loop3A_280 : i32 to vector<16xi32>
        %parallel_loop3A_286 = tpu.vector_load_idx %arg10[%parallel_loop3A_285] : memref<512xf32, #tpu.memory_space<vmem>>[vector<16xi32>], vector<16xf32>,
        %parallel_loop3A_287 = arith.constant 4 : i32
        %parallel_loop3A_288 = vector.broadcast %parallel_loop3A_287 : i32 to vector<16xi32>
        %parallel_loop3A_289 = arith.muli %parallel_loop3A_284, %parallel_loop3A_288 : vector<16xi32>
        %parallel_loop3A_290 = arith.constant 6 : i32
        %parallel_loop3A_291 = arith.shrsi %parallel_loop3A_280, %parallel_loop3A_290 : i32
        %parallel_loop3A_292 = arith.constant 63 : i32
        %parallel_loop3A_293 = arith.andi %parallel_loop3A_280, %parallel_loop3A_292 : i32
        %parallel_loop3A_294 = arith.constant 64 : i32
        %parallel_loop3A_295 = arith.muli %parallel_loop3A_293, %parallel_loop3A_294 : i32
        %parallel_loop3A_296 = vector.shape_cast %add3A_30 : vector<16xi32> to vector<16x1xi32>
        %parallel_loop3A_297 = vector.shape_cast %parallel_loop3A_296 : vector<16x1xi32> to vector<16xi32>
        %parallel_loop3A_298 = tpu.dynamic_gather %parallel_loop3A_289[%parallel_loop3A_297] in [0] : vector<16xi32>, vector<16xi32> -> vector<16xi32>
        %parallel_loop3A_299 = arith.addi %parallel_loop3A_298, %add3A_25 : vector<16xi32>
        %parallel_loop3A_300 = tpu.vector_load_idx %arg6[%parallel_loop3A_299] : memref<2048xf32, #tpu.memory_space<vmem>>[vector<16xi32>], vector<16xf32>,
        %parallel_loop3A_301 = arith.mulf %parallel_loop3A_300, %parallel_loop3A_286 : vector<16xf32>
        %parallel_loop3A_302 = arith.constant 0 : i32
        %parallel_loop3A_303 = arith.addi %parallel_loop3A_295, %parallel_loop3A_302 : i32
        %parallel_loop3A_304 = arith.index_cast %parallel_loop3A_291 : i32 to index
        %parallel_loop3A_305 = arith.index_cast %parallel_loop3A_303 : i32 to index
        %parallel_loop3A_306 = tpu.vector_load %arg13[%parallel_loop3A_304, %parallel_loop3A_305] {strides = array<i32>} : memref<8x4096xf32, #tpu.memory_space<vmem>>, vector<16xf32>,
        tpu.vector_store %arg13[%parallel_loop3A_304, %parallel_loop3A_305], %parallel_loop3A_301 {strides = array<i32>} : memref<8x4096xf32, #tpu.memory_space<vmem>>, vector<16xf32>,
        %parallel_loop3A_307 = vector.shape_cast %add3A_36 : vector<16xi32> to vector<16x1xi32>
        %parallel_loop3A_308 = vector.shape_cast %parallel_loop3A_307 : vector<16x1xi32> to vector<16xi32>
        %parallel_loop3A_309 = tpu.dynamic_gather %parallel_loop3A_289[%parallel_loop3A_308] in [0] : vector<16xi32>, vector<16xi32> -> vector<16xi32>
        %parallel_loop3A_310 = arith.addi %parallel_loop3A_309, %add3A_25 : vector<16xi32>
        %parallel_loop3A_311 = tpu.vector_load_idx %arg6[%parallel_loop3A_310] : memref<2048xf32, #tpu.memory_space<vmem>>[vector<16xi32>], vector<16xf32>,
        %parallel_loop3A_312 = arith.mulf %parallel_loop3A_311, %parallel_loop3A_286 : vector<16xf32>
        %parallel_loop3A_313 = arith.constant 16 : i32
        %parallel_loop3A_314 = arith.addi %parallel_loop3A_295, %parallel_loop3A_313 : i32
        %parallel_loop3A_315 = arith.index_cast %parallel_loop3A_291 : i32 to index
        %parallel_loop3A_316 = arith.index_cast %parallel_loop3A_314 : i32 to index
        %parallel_loop3A_317 = tpu.vector_load %arg13[%parallel_loop3A_315, %parallel_loop3A_316] {strides = array<i32>} : memref<8x4096xf32, #tpu.memory_space<vmem>>, vector<16xf32>,
        tpu.vector_store %arg13[%parallel_loop3A_315, %parallel_loop3A_316], %parallel_loop3A_312 {strides = array<i32>} : memref<8x4096xf32, #tpu.memory_space<vmem>>, vector<16xf32>,
        %parallel_loop3A_318 = vector.shape_cast %add3A_42 : vector<16xi32> to vector<16x1xi32>
        %parallel_loop3A_319 = vector.shape_cast %parallel_loop3A_318 : vector<16x1xi32> to vector<16xi32>
        %parallel_loop3A_320 = tpu.dynamic_gather %parallel_loop3A_289[%parallel_loop3A_319] in [0] : vector<16xi32>, vector<16xi32> -> vector<16xi32>
        %parallel_loop3A_321 = arith.addi %parallel_loop3A_320, %add3A_25 : vector<16xi32>
        %parallel_loop3A_322 = tpu.vector_load_idx %arg6[%parallel_loop3A_321] : memref<2048xf32, #tpu.memory_space<vmem>>[vector<16xi32>], vector<16xf32>,
        %parallel_loop3A_323 = arith.mulf %parallel_loop3A_322, %parallel_loop3A_286 : vector<16xf32>
        %parallel_loop3A_324 = arith.constant 32 : i32
        %parallel_loop3A_325 = arith.addi %parallel_loop3A_295, %parallel_loop3A_324 : i32
        %parallel_loop3A_326 = arith.index_cast %parallel_loop3A_291 : i32 to index
        %parallel_loop3A_327 = arith.index_cast %parallel_loop3A_325 : i32 to index
        %parallel_loop3A_328 = tpu.vector_load %arg13[%parallel_loop3A_326, %parallel_loop3A_327] {strides = array<i32>} : memref<8x4096xf32, #tpu.memory_space<vmem>>, vector<16xf32>,
        tpu.vector_store %arg13[%parallel_loop3A_326, %parallel_loop3A_327], %parallel_loop3A_323 {strides = array<i32>} : memref<8x4096xf32, #tpu.memory_space<vmem>>, vector<16xf32>,
        %parallel_loop3A_329 = vector.shape_cast %add3A_48 : vector<16xi32> to vector<16x1xi32>
        %parallel_loop3A_330 = vector.shape_cast %parallel_loop3A_329 : vector<16x1xi32> to vector<16xi32>
        %parallel_loop3A_331 = tpu.dynamic_gather %parallel_loop3A_289[%parallel_loop3A_330] in [0] : vector<16xi32>, vector<16xi32> -> vector<16xi32>
        %parallel_loop3A_332 = arith.addi %parallel_loop3A_331, %add3A_25 : vector<16xi32>
        %parallel_loop3A_333 = tpu.vector_load_idx %arg6[%parallel_loop3A_332] : memref<2048xf32, #tpu.memory_space<vmem>>[vector<16xi32>], vector<16xf32>,
        %parallel_loop3A_334 = arith.mulf %parallel_loop3A_333, %parallel_loop3A_286 : vector<16xf32>
        %parallel_loop3A_335 = arith.constant 48 : i32
        %parallel_loop3A_336 = arith.addi %parallel_loop3A_295, %parallel_loop3A_335 : i32
        %parallel_loop3A_337 = arith.index_cast %parallel_loop3A_291 : i32 to index
        %parallel_loop3A_338 = arith.index_cast %parallel_loop3A_336 : i32 to index
        %parallel_loop3A_339 = tpu.vector_load %arg13[%parallel_loop3A_337, %parallel_loop3A_338] {strides = array<i32>} : memref<8x4096xf32, #tpu.memory_space<vmem>>, vector<16xf32>,
        tpu.vector_store %arg13[%parallel_loop3A_337, %parallel_loop3A_338], %parallel_loop3A_334 {strides = array<i32>} : memref<8x4096xf32, #tpu.memory_space<vmem>>, vector<16xf32>,
      } {sc.loop_unroll_factor = 4 : i64, sc.parallel_access}
      %mul3A_187 = arith.constant 8 : i32
      %mul3A_188 = arith.muli %add3A_171, %mul3A_187 : i32
      %multiple_of3A_189 = tpu.assume_multiple %mul3A_188, 8 : i32
      %dma_start3A_190 = arith.constant 0 : i32
      %dma_start3A_191 = tpu.memref_slice %arg5[%multiple_of3A_189, %dma_start3A_190] : memref<4096x4096xf32, #tpu.memory_space<hbm>> -> memref<8x4096xf32, #tpu.memory_space<hbm>>
      %dma_start3A_192 = arith.constant 0 : i32
      %dma_start3A_193 = tpu.memref_slice %arg5[%multiple_of3A_189, %dma_start3A_192] : memref<4096x4096xf32, #tpu.memory_space<hbm>> -> memref<8x4096xf32, #tpu.memory_space<hbm>>
      tpu.enqueue_dma source(%arg13 : memref<8x4096xf32, #tpu.memory_space<vmem>>) target(%dma_start3A_193 : memref<8x4096xf32, #tpu.memory_space<hbm>>) target_semaphore(%arg19 : memref<!tpu.dma_semaphore, #tpu.memory_space<semaphore_mem>>)
      %add3A_194 = arith.constant 2 : i32
      %add3A_195 = arith.addi %add3A_167, %add3A_194 : i32
      %lt3A_196 = arith.constant 16 : i32
      %lt3A_197 = arith.cmpi slt, %add3A_195, %lt3A_196 : i32
      %convert_element_type3A_198 = arith.extui %lt3A_197 : i1 to i32
      %cond3A_199 = arith.constant 0 : i32
      %cond3A_200 = arith.cmpi ne, %convert_element_type3A_198, %cond3A_199 : i32
      scf.if %cond3A_200 {
        %add3A_280 = arith.constant 2 : i32
        %add3A_281 = arith.addi %add3A_167, %add3A_280 : i32
        %mul3A_282 = arith.constant 16 : i32
        %mul3A_283 = arith.muli %add3A, %mul3A_282 : i32
        %add3A_284 = arith.addi %mul3A_283, %add3A_281 : i32
        %jit3A_285 = arith.constant 256 : i32
        %eq3A_286 = arith.constant 0 : i32
        %eq3A_287 = arith.cmpi eq, %jit3A_285, %eq3A_286 : i32
        %jit3A_288 = arith.constant 1 : i32
        %select_n3A_289 = arith.select %eq3A_287, %jit3A_288, %jit3A_285 : i32
        %rem3A_290 = arith.remsi %add3A_284, %select_n3A_289 : i32
        %ne3A_291 = arith.constant 0 : i32
        %ne3A_292 = arith.cmpi ne, %rem3A_290, %ne3A_291 : i32
        %lt3A_293 = arith.constant 0 : i32
        %lt3A_294 = arith.cmpi slt, %rem3A_290, %lt3A_293 : i32
        %lt3A_295 = arith.constant 0 : i32
        %lt3A_296 = arith.cmpi slt, %select_n3A_289, %lt3A_295 : i32
        %ne3A_297 = arith.xori %lt3A_294, %lt3A_296 : i1
        %and3A_298 = arith.andi %ne3A_297, %ne3A_292 : i1
        %add3A_299 = arith.addi %rem3A_290, %select_n3A_289 : i32
        %select_n3A_300 = arith.select %and3A_298, %add3A_299, %rem3A_290 : i32
        %mul3A_301 = arith.constant 8192 : i32
        %mul3A_302 = arith.muli %select_n3A_300, %mul3A_301 : i32
        %multiple_of3A_303 = tpu.assume_multiple %mul3A_302, 8192 : i32
        %dma_start3A_304 = tpu.memref_slice %arg2[%select_n3A, %multiple_of3A_303] : memref<2x2097152xi32, #tpu.memory_space<hbm>> -> memref<1x8192xi32, #tpu.memory_space<hbm>>
        %dma_start3A_305 = tpu.memref_squeeze %dma_start3A_304 : memref<1x8192xi32, #tpu.memory_space<hbm>> -> memref<8192xi32, #tpu.memory_space<hbm>>
        %dma_start3A_306 = tpu.memref_slice %arg2[%select_n3A, %multiple_of3A_303] : memref<2x2097152xi32, #tpu.memory_space<hbm>> -> memref<1x8192xi32, #tpu.memory_space<hbm>>
        %dma_start3A_307 = tpu.memref_squeeze %dma_start3A_306 : memref<1x8192xi32, #tpu.memory_space<hbm>> -> memref<8192xi32, #tpu.memory_space<hbm>>
        tpu.enqueue_dma source(%dma_start3A_307 : memref<8192xi32, #tpu.memory_space<hbm>>) target(%arg9 : memref<8192xi32, #tpu.memory_space<vmem>>) target_semaphore(%arg18 : memref<!tpu.dma_semaphore, #tpu.memory_space<semaphore_mem>>)
        %mul3A_308 = arith.constant 512 : i32
        %mul3A_309 = arith.muli %add3A_284, %mul3A_308 : i32
        %multiple_of3A_310 = tpu.assume_multiple %mul3A_309, 512 : i32
        %dma_start3A_311 = tpu.memref_slice %arg4[%multiple_of3A_310] : memref<262144xf32, #tpu.memory_space<hbm>> -> memref<512xf32, #tpu.memory_space<hbm>>
        %dma_start3A_312 = tpu.memref_slice %arg4[%multiple_of3A_310] : memref<262144xf32, #tpu.memory_space<hbm>> -> memref<512xf32, #tpu.memory_space<hbm>>
        tpu.enqueue_dma source(%dma_start3A_312 : memref<512xf32, #tpu.memory_space<hbm>>) target(%arg12 : memref<512xf32, #tpu.memory_space<vmem>>) target_semaphore(%arg18 : memref<!tpu.dma_semaphore, #tpu.memory_space<semaphore_mem>>)
      } else {
      }
      %mul3A_201 = arith.constant 3 : i32
      %mul3A_202 = arith.muli %mul3A_201, %scan3A_162 : i32
      %add3A_203 = arith.constant 1 : i32
      %add3A_204 = arith.addi %mul3A_202, %add3A_203 : i32
      %gt3A_205 = arith.constant 0 : i32
      %gt3A_206 = arith.cmpi sgt, %scan3A_162, %gt3A_205 : i32
      %mul3A_207 = arith.constant 16 : i32
      %mul3A_208 = arith.muli %add3A, %mul3A_207 : i32
      %add3A_209 = arith.addi %mul3A_208, %add3A_204 : i32
      %dma_wait3A_210 = arith.constant 0 : i32
      %dma_wait3A_211 = tpu.memref_slice %arg2[%select_n3A, %dma_wait3A_210] : memref<2x2097152xi32, #tpu.memory_space<hbm>> -> memref<1x8192xi32, #tpu.memory_space<hbm>>
      %dma_wait3A_212 = tpu.memref_squeeze %dma_wait3A_211 : memref<1x8192xi32, #tpu.memory_space<hbm>> -> memref<8192xi32, #tpu.memory_space<hbm>>
      %dma_wait3A_213 = arith.constant 0 : i32
      %dma_wait3A_214 = tpu.memref_slice %arg2[%select_n3A, %dma_wait3A_213] : memref<2x2097152xi32, #tpu.memory_space<hbm>> -> memref<1x8192xi32, #tpu.memory_space<hbm>>
      %dma_wait3A_215 = tpu.memref_squeeze %dma_wait3A_214 : memref<1x8192xi32, #tpu.memory_space<hbm>> -> memref<8192xi32, #tpu.memory_space<hbm>>
      tpu.wait_dma2 semaphore(%arg17 : memref<!tpu.dma_semaphore, #tpu.memory_space<semaphore_mem>>) src(%dma_wait3A_215 : memref<8192xi32, #tpu.memory_space<hbm>>) dst(%arg8 : memref<8192xi32, #tpu.memory_space<vmem>>)
      %dma_wait3A_216 = arith.constant 0 : i32
      %dma_wait3A_217 = tpu.memref_slice %arg4[%dma_wait3A_216] : memref<262144xf32, #tpu.memory_space<hbm>> -> memref<512xf32, #tpu.memory_space<hbm>>
      %dma_wait3A_218 = arith.constant 0 : i32
      %dma_wait3A_219 = tpu.memref_slice %arg4[%dma_wait3A_218] : memref<262144xf32, #tpu.memory_space<hbm>> -> memref<512xf32, #tpu.memory_space<hbm>>
      tpu.wait_dma2 semaphore(%arg17 : memref<!tpu.dma_semaphore, #tpu.memory_space<semaphore_mem>>) src(%dma_wait3A_219 : memref<512xf32, #tpu.memory_space<hbm>>) dst(%arg11 : memref<512xf32, #tpu.memory_space<vmem>>)
      %convert_element_type3A_220 = arith.extui %gt3A_206 : i1 to i32
      %cond3A_221 = arith.constant 0 : i32
      %cond3A_222 = arith.cmpi ne, %convert_element_type3A_220, %cond3A_221 : i32
      scf.if %cond3A_222 {
        %mul3A_280 = arith.constant 8 : i32
        %mul3A_281 = arith.muli %add3A_209, %mul3A_280 : i32
        %multiple_of3A_282 = tpu.assume_multiple %mul3A_281, 8 : i32
        %dma_wait3A_283 = arith.constant 0 : i32
        %dma_wait3A_284 = tpu.memref_slice %arg5[%multiple_of3A_282, %dma_wait3A_283] : memref<4096x4096xf32, #tpu.memory_space<hbm>> -> memref<8x4096xf32, #tpu.memory_space<hbm>>
        %dma_wait3A_285 = arith.constant 0 : i32
        %dma_wait3A_286 = tpu.memref_slice %arg5[%multiple_of3A_282, %dma_wait3A_285] : memref<4096x4096xf32, #tpu.memory_space<hbm>> -> memref<8x4096xf32, #tpu.memory_space<hbm>>
        tpu.wait_dma2 semaphore(%arg20 : memref<!tpu.dma_semaphore, #tpu.memory_space<semaphore_mem>>) src(%arg14 : memref<8x4096xf32, #tpu.memory_space<vmem>>) dst(%dma_wait3A_286 : memref<8x4096xf32, #tpu.memory_space<hbm>>)
      } else {
      }
      %parallel_loop3A_223 = arith.constant 0 : i32
      %parallel_loop3A_224 = arith.constant 512 : i32
      %parallel_loop3A_225 = arith.constant 1 : i32
      scf.for %parallel_loop3A_280 = %parallel_loop3A_223 to %parallel_loop3A_224 step %parallel_loop3A_225  : i32 {
        %parallel_loop3A_281 = arith.constant 16 : i32
        %parallel_loop3A_282 = arith.muli %parallel_loop3A_280, %parallel_loop3A_281 : i32
        %parallel_loop3A_283 = arith.index_cast %parallel_loop3A_282 : i32 to index
        %parallel_loop3A_284 = tpu.vector_load %arg8[%parallel_loop3A_283] {strides = array<i32>} : memref<8192xi32, #tpu.memory_space<vmem>>, vector<16xi32>,
        %parallel_loop3A_285 = vector.broadcast %parallel_loop3A_280 : i32 to vector<16xi32>
        %parallel_loop3A_286 = tpu.vector_load_idx %arg11[%parallel_loop3A_285] : memref<512xf32, #tpu.memory_space<vmem>>[vector<16xi32>], vector<16xf32>,
        %parallel_loop3A_287 = arith.constant 4 : i32
        %parallel_loop3A_288 = vector.broadcast %parallel_loop3A_287 : i32 to vector<16xi32>
        %parallel_loop3A_289 = arith.muli %parallel_loop3A_284, %parallel_loop3A_288 : vector<16xi32>
        %parallel_loop3A_290 = arith.constant 6 : i32
        %parallel_loop3A_291 = arith.shrsi %parallel_loop3A_280, %parallel_loop3A_290 : i32
        %parallel_loop3A_292 = arith.constant 63 : i32
        %parallel_loop3A_293 = arith.andi %parallel_loop3A_280, %parallel_loop3A_292 : i32
        %parallel_loop3A_294 = arith.constant 64 : i32
        %parallel_loop3A_295 = arith.muli %parallel_loop3A_293, %parallel_loop3A_294 : i32
        %parallel_loop3A_296 = vector.shape_cast %add3A_30 : vector<16xi32> to vector<16x1xi32>
        %parallel_loop3A_297 = vector.shape_cast %parallel_loop3A_296 : vector<16x1xi32> to vector<16xi32>
        %parallel_loop3A_298 = tpu.dynamic_gather %parallel_loop3A_289[%parallel_loop3A_297] in [0] : vector<16xi32>, vector<16xi32> -> vector<16xi32>
        %parallel_loop3A_299 = arith.addi %parallel_loop3A_298, %add3A_25 : vector<16xi32>
        %parallel_loop3A_300 = tpu.vector_load_idx %arg6[%parallel_loop3A_299] : memref<2048xf32, #tpu.memory_space<vmem>>[vector<16xi32>], vector<16xf32>,
        %parallel_loop3A_301 = arith.mulf %parallel_loop3A_300, %parallel_loop3A_286 : vector<16xf32>
        %parallel_loop3A_302 = arith.constant 0 : i32
        %parallel_loop3A_303 = arith.addi %parallel_loop3A_295, %parallel_loop3A_302 : i32
        %parallel_loop3A_304 = arith.index_cast %parallel_loop3A_291 : i32 to index
        %parallel_loop3A_305 = arith.index_cast %parallel_loop3A_303 : i32 to index
        %parallel_loop3A_306 = tpu.vector_load %arg14[%parallel_loop3A_304, %parallel_loop3A_305] {strides = array<i32>} : memref<8x4096xf32, #tpu.memory_space<vmem>>, vector<16xf32>,
        tpu.vector_store %arg14[%parallel_loop3A_304, %parallel_loop3A_305], %parallel_loop3A_301 {strides = array<i32>} : memref<8x4096xf32, #tpu.memory_space<vmem>>, vector<16xf32>,
        %parallel_loop3A_307 = vector.shape_cast %add3A_36 : vector<16xi32> to vector<16x1xi32>
        %parallel_loop3A_308 = vector.shape_cast %parallel_loop3A_307 : vector<16x1xi32> to vector<16xi32>
        %parallel_loop3A_309 = tpu.dynamic_gather %parallel_loop3A_289[%parallel_loop3A_308] in [0] : vector<16xi32>, vector<16xi32> -> vector<16xi32>
        %parallel_loop3A_310 = arith.addi %parallel_loop3A_309, %add3A_25 : vector<16xi32>
        %parallel_loop3A_311 = tpu.vector_load_idx %arg6[%parallel_loop3A_310] : memref<2048xf32, #tpu.memory_space<vmem>>[vector<16xi32>], vector<16xf32>,
        %parallel_loop3A_312 = arith.mulf %parallel_loop3A_311, %parallel_loop3A_286 : vector<16xf32>
        %parallel_loop3A_313 = arith.constant 16 : i32
        %parallel_loop3A_314 = arith.addi %parallel_loop3A_295, %parallel_loop3A_313 : i32
        %parallel_loop3A_315 = arith.index_cast %parallel_loop3A_291 : i32 to index
        %parallel_loop3A_316 = arith.index_cast %parallel_loop3A_314 : i32 to index
        %parallel_loop3A_317 = tpu.vector_load %arg14[%parallel_loop3A_315, %parallel_loop3A_316] {strides = array<i32>} : memref<8x4096xf32, #tpu.memory_space<vmem>>, vector<16xf32>,
        tpu.vector_store %arg14[%parallel_loop3A_315, %parallel_loop3A_316], %parallel_loop3A_312 {strides = array<i32>} : memref<8x4096xf32, #tpu.memory_space<vmem>>, vector<16xf32>,
        %parallel_loop3A_318 = vector.shape_cast %add3A_42 : vector<16xi32> to vector<16x1xi32>
        %parallel_loop3A_319 = vector.shape_cast %parallel_loop3A_318 : vector<16x1xi32> to vector<16xi32>
        %parallel_loop3A_320 = tpu.dynamic_gather %parallel_loop3A_289[%parallel_loop3A_319] in [0] : vector<16xi32>, vector<16xi32> -> vector<16xi32>
        %parallel_loop3A_321 = arith.addi %parallel_loop3A_320, %add3A_25 : vector<16xi32>
        %parallel_loop3A_322 = tpu.vector_load_idx %arg6[%parallel_loop3A_321] : memref<2048xf32, #tpu.memory_space<vmem>>[vector<16xi32>], vector<16xf32>,
        %parallel_loop3A_323 = arith.mulf %parallel_loop3A_322, %parallel_loop3A_286 : vector<16xf32>
        %parallel_loop3A_324 = arith.constant 32 : i32
        %parallel_loop3A_325 = arith.addi %parallel_loop3A_295, %parallel_loop3A_324 : i32
        %parallel_loop3A_326 = arith.index_cast %parallel_loop3A_291 : i32 to index
        %parallel_loop3A_327 = arith.index_cast %parallel_loop3A_325 : i32 to index
        %parallel_loop3A_328 = tpu.vector_load %arg14[%parallel_loop3A_326, %parallel_loop3A_327] {strides = array<i32>} : memref<8x4096xf32, #tpu.memory_space<vmem>>, vector<16xf32>,
        tpu.vector_store %arg14[%parallel_loop3A_326, %parallel_loop3A_327], %parallel_loop3A_323 {strides = array<i32>} : memref<8x4096xf32, #tpu.memory_space<vmem>>, vector<16xf32>,
        %parallel_loop3A_329 = vector.shape_cast %add3A_48 : vector<16xi32> to vector<16x1xi32>
        %parallel_loop3A_330 = vector.shape_cast %parallel_loop3A_329 : vector<16x1xi32> to vector<16xi32>
        %parallel_loop3A_331 = tpu.dynamic_gather %parallel_loop3A_289[%parallel_loop3A_330] in [0] : vector<16xi32>, vector<16xi32> -> vector<16xi32>
        %parallel_loop3A_332 = arith.addi %parallel_loop3A_331, %add3A_25 : vector<16xi32>
        %parallel_loop3A_333 = tpu.vector_load_idx %arg6[%parallel_loop3A_332] : memref<2048xf32, #tpu.memory_space<vmem>>[vector<16xi32>], vector<16xf32>,
        %parallel_loop3A_334 = arith.mulf %parallel_loop3A_333, %parallel_loop3A_286 : vector<16xf32>
        %parallel_loop3A_335 = arith.constant 48 : i32
        %parallel_loop3A_336 = arith.addi %parallel_loop3A_295, %parallel_loop3A_335 : i32
        %parallel_loop3A_337 = arith.index_cast %parallel_loop3A_291 : i32 to index
        %parallel_loop3A_338 = arith.index_cast %parallel_loop3A_336 : i32 to index
        %parallel_loop3A_339 = tpu.vector_load %arg14[%parallel_loop3A_337, %parallel_loop3A_338] {strides = array<i32>} : memref<8x4096xf32, #tpu.memory_space<vmem>>, vector<16xf32>,
        tpu.vector_store %arg14[%parallel_loop3A_337, %parallel_loop3A_338], %parallel_loop3A_334 {strides = array<i32>} : memref<8x4096xf32, #tpu.memory_space<vmem>>, vector<16xf32>,
      } {sc.loop_unroll_factor = 4 : i64, sc.parallel_access}
      %mul3A_226 = arith.constant 8 : i32
      %mul3A_227 = arith.muli %add3A_209, %mul3A_226 : i32
      %multiple_of3A_228 = tpu.assume_multiple %mul3A_227, 8 : i32
      %dma_start3A_229 = arith.constant 0 : i32
      %dma_start3A_230 = tpu.memref_slice %arg5[%multiple_of3A_228, %dma_start3A_229] : memref<4096x4096xf32, #tpu.memory_space<hbm>> -> memref<8x4096xf32, #tpu.memory_space<hbm>>
      %dma_start3A_231 = arith.constant 0 : i32
      %dma_start3A_232 = tpu.memref_slice %arg5[%multiple_of3A_228, %dma_start3A_231] : memref<4096x4096xf32, #tpu.memory_space<hbm>> -> memref<8x4096xf32, #tpu.memory_space<hbm>>
      tpu.enqueue_dma source(%arg14 : memref<8x4096xf32, #tpu.memory_space<vmem>>) target(%dma_start3A_232 : memref<8x4096xf32, #tpu.memory_space<hbm>>) target_semaphore(%arg20 : memref<!tpu.dma_semaphore, #tpu.memory_space<semaphore_mem>>)
      %add3A_233 = arith.constant 2 : i32
      %add3A_234 = arith.addi %add3A_204, %add3A_233 : i32
      %lt3A_235 = arith.constant 16 : i32
      %lt3A_236 = arith.cmpi slt, %add3A_234, %lt3A_235 : i32
      %convert_element_type3A_237 = arith.extui %lt3A_236 : i1 to i32
      %cond3A_238 = arith.constant 0 : i32
      %cond3A_239 = arith.cmpi ne, %convert_element_type3A_237, %cond3A_238 : i32
      scf.if %cond3A_239 {
        %add3A_280 = arith.constant 2 : i32
        %add3A_281 = arith.addi %add3A_204, %add3A_280 : i32
        %mul3A_282 = arith.constant 16 : i32
        %mul3A_283 = arith.muli %add3A, %mul3A_282 : i32
        %add3A_284 = arith.addi %mul3A_283, %add3A_281 : i32
        %jit3A_285 = arith.constant 256 : i32
        %eq3A_286 = arith.constant 0 : i32
        %eq3A_287 = arith.cmpi eq, %jit3A_285, %eq3A_286 : i32
        %jit3A_288 = arith.constant 1 : i32
        %select_n3A_289 = arith.select %eq3A_287, %jit3A_288, %jit3A_285 : i32
        %rem3A_290 = arith.remsi %add3A_284, %select_n3A_289 : i32
        %ne3A_291 = arith.constant 0 : i32
        %ne3A_292 = arith.cmpi ne, %rem3A_290, %ne3A_291 : i32
        %lt3A_293 = arith.constant 0 : i32
        %lt3A_294 = arith.cmpi slt, %rem3A_290, %lt3A_293 : i32
        %lt3A_295 = arith.constant 0 : i32
        %lt3A_296 = arith.cmpi slt, %select_n3A_289, %lt3A_295 : i32
        %ne3A_297 = arith.xori %lt3A_294, %lt3A_296 : i1
        %and3A_298 = arith.andi %ne3A_297, %ne3A_292 : i1
        %add3A_299 = arith.addi %rem3A_290, %select_n3A_289 : i32
        %select_n3A_300 = arith.select %and3A_298, %add3A_299, %rem3A_290 : i32
        %mul3A_301 = arith.constant 8192 : i32
        %mul3A_302 = arith.muli %select_n3A_300, %mul3A_301 : i32
        %multiple_of3A_303 = tpu.assume_multiple %mul3A_302, 8192 : i32
        %dma_start3A_304 = tpu.memref_slice %arg2[%select_n3A, %multiple_of3A_303] : memref<2x2097152xi32, #tpu.memory_space<hbm>> -> memref<1x8192xi32, #tpu.memory_space<hbm>>
        %dma_start3A_305 = tpu.memref_squeeze %dma_start3A_304 : memref<1x8192xi32, #tpu.memory_space<hbm>> -> memref<8192xi32, #tpu.memory_space<hbm>>
        %dma_start3A_306 = tpu.memref_slice %arg2[%select_n3A, %multiple_of3A_303] : memref<2x2097152xi32, #tpu.memory_space<hbm>> -> memref<1x8192xi32, #tpu.memory_space<hbm>>
        %dma_start3A_307 = tpu.memref_squeeze %dma_start3A_306 : memref<1x8192xi32, #tpu.memory_space<hbm>> -> memref<8192xi32, #tpu.memory_space<hbm>>
        tpu.enqueue_dma source(%dma_start3A_307 : memref<8192xi32, #tpu.memory_space<hbm>>) target(%arg7 : memref<8192xi32, #tpu.memory_space<vmem>>) target_semaphore(%arg16 : memref<!tpu.dma_semaphore, #tpu.memory_space<semaphore_mem>>)
        %mul3A_308 = arith.constant 512 : i32
        %mul3A_309 = arith.muli %add3A_284, %mul3A_308 : i32
        %multiple_of3A_310 = tpu.assume_multiple %mul3A_309, 512 : i32
        %dma_start3A_311 = tpu.memref_slice %arg4[%multiple_of3A_310] : memref<262144xf32, #tpu.memory_space<hbm>> -> memref<512xf32, #tpu.memory_space<hbm>>
        %dma_start3A_312 = tpu.memref_slice %arg4[%multiple_of3A_310] : memref<262144xf32, #tpu.memory_space<hbm>> -> memref<512xf32, #tpu.memory_space<hbm>>
        tpu.enqueue_dma source(%dma_start3A_312 : memref<512xf32, #tpu.memory_space<hbm>>) target(%arg10 : memref<512xf32, #tpu.memory_space<vmem>>) target_semaphore(%arg16 : memref<!tpu.dma_semaphore, #tpu.memory_space<semaphore_mem>>)
      } else {
      }
      %mul3A_240 = arith.constant 3 : i32
      %mul3A_241 = arith.muli %mul3A_240, %scan3A_162 : i32
      %add3A_242 = arith.constant 2 : i32
      %add3A_243 = arith.addi %mul3A_241, %add3A_242 : i32
      %gt3A_244 = arith.constant 0 : i32
      %gt3A_245 = arith.cmpi sgt, %scan3A_162, %gt3A_244 : i32
      %mul3A_246 = arith.constant 16 : i32
      %mul3A_247 = arith.muli %add3A, %mul3A_246 : i32
      %add3A_248 = arith.addi %mul3A_247, %add3A_243 : i32
      %dma_wait3A_249 = arith.constant 0 : i32
      %dma_wait3A_250 = tpu.memref_slice %arg2[%select_n3A, %dma_wait3A_249] : memref<2x2097152xi32, #tpu.memory_space<hbm>> -> memref<1x8192xi32, #tpu.memory_space<hbm>>
      %dma_wait3A_251 = tpu.memref_squeeze %dma_wait3A_250 : memref<1x8192xi32, #tpu.memory_space<hbm>> -> memref<8192xi32, #tpu.memory_space<hbm>>
      %dma_wait3A_252 = arith.constant 0 : i32
      %dma_wait3A_253 = tpu.memref_slice %arg2[%select_n3A, %dma_wait3A_252] : memref<2x2097152xi32, #tpu.memory_space<hbm>> -> memref<1x8192xi32, #tpu.memory_space<hbm>>
      %dma_wait3A_254 = tpu.memref_squeeze %dma_wait3A_253 : memref<1x8192xi32, #tpu.memory_space<hbm>> -> memref<8192xi32, #tpu.memory_space<hbm>>
      tpu.wait_dma2 semaphore(%arg18 : memref<!tpu.dma_semaphore, #tpu.memory_space<semaphore_mem>>) src(%dma_wait3A_254 : memref<8192xi32, #tpu.memory_space<hbm>>) dst(%arg9 : memref<8192xi32, #tpu.memory_space<vmem>>)
      %dma_wait3A_255 = arith.constant 0 : i32
      %dma_wait3A_256 = tpu.memref_slice %arg4[%dma_wait3A_255] : memref<262144xf32, #tpu.memory_space<hbm>> -> memref<512xf32, #tpu.memory_space<hbm>>
      %dma_wait3A_257 = arith.constant 0 : i32
      %dma_wait3A_258 = tpu.memref_slice %arg4[%dma_wait3A_257] : memref<262144xf32, #tpu.memory_space<hbm>> -> memref<512xf32, #tpu.memory_space<hbm>>
      tpu.wait_dma2 semaphore(%arg18 : memref<!tpu.dma_semaphore, #tpu.memory_space<semaphore_mem>>) src(%dma_wait3A_258 : memref<512xf32, #tpu.memory_space<hbm>>) dst(%arg12 : memref<512xf32, #tpu.memory_space<vmem>>)
      %convert_element_type3A_259 = arith.extui %gt3A_245 : i1 to i32
      %cond3A_260 = arith.constant 0 : i32
      %cond3A_261 = arith.cmpi ne, %convert_element_type3A_259, %cond3A_260 : i32
      scf.if %cond3A_261 {
        %mul3A_280 = arith.constant 8 : i32
        %mul3A_281 = arith.muli %add3A_248, %mul3A_280 : i32
        %multiple_of3A_282 = tpu.assume_multiple %mul3A_281, 8 : i32
        %dma_wait3A_283 = arith.constant 0 : i32
        %dma_wait3A_284 = tpu.memref_slice %arg5[%multiple_of3A_282, %dma_wait3A_283] : memref<4096x4096xf32, #tpu.memory_space<hbm>> -> memref<8x4096xf32, #tpu.memory_space<hbm>>
        %dma_wait3A_285 = arith.constant 0 : i32
        %dma_wait3A_286 = tpu.memref_slice %arg5[%multiple_of3A_282, %dma_wait3A_285] : memref<4096x4096xf32, #tpu.memory_space<hbm>> -> memref<8x4096xf32, #tpu.memory_space<hbm>>
        tpu.wait_dma2 semaphore(%arg21 : memref<!tpu.dma_semaphore, #tpu.memory_space<semaphore_mem>>) src(%arg15 : memref<8x4096xf32, #tpu.memory_space<vmem>>) dst(%dma_wait3A_286 : memref<8x4096xf32, #tpu.memory_space<hbm>>)
      } else {
      }
      %parallel_loop3A_262 = arith.constant 0 : i32
      %parallel_loop3A_263 = arith.constant 512 : i32
      %parallel_loop3A_264 = arith.constant 1 : i32
      scf.for %parallel_loop3A_280 = %parallel_loop3A_262 to %parallel_loop3A_263 step %parallel_loop3A_264  : i32 {
        %parallel_loop3A_281 = arith.constant 16 : i32
        %parallel_loop3A_282 = arith.muli %parallel_loop3A_280, %parallel_loop3A_281 : i32
        %parallel_loop3A_283 = arith.index_cast %parallel_loop3A_282 : i32 to index
        %parallel_loop3A_284 = tpu.vector_load %arg9[%parallel_loop3A_283] {strides = array<i32>} : memref<8192xi32, #tpu.memory_space<vmem>>, vector<16xi32>,
        %parallel_loop3A_285 = vector.broadcast %parallel_loop3A_280 : i32 to vector<16xi32>
        %parallel_loop3A_286 = tpu.vector_load_idx %arg12[%parallel_loop3A_285] : memref<512xf32, #tpu.memory_space<vmem>>[vector<16xi32>], vector<16xf32>,
        %parallel_loop3A_287 = arith.constant 4 : i32
        %parallel_loop3A_288 = vector.broadcast %parallel_loop3A_287 : i32 to vector<16xi32>
        %parallel_loop3A_289 = arith.muli %parallel_loop3A_284, %parallel_loop3A_288 : vector<16xi32>
        %parallel_loop3A_290 = arith.constant 6 : i32
        %parallel_loop3A_291 = arith.shrsi %parallel_loop3A_280, %parallel_loop3A_290 : i32
        %parallel_loop3A_292 = arith.constant 63 : i32
        %parallel_loop3A_293 = arith.andi %parallel_loop3A_280, %parallel_loop3A_292 : i32
        %parallel_loop3A_294 = arith.constant 64 : i32
        %parallel_loop3A_295 = arith.muli %parallel_loop3A_293, %parallel_loop3A_294 : i32
        %parallel_loop3A_296 = vector.shape_cast %add3A_30 : vector<16xi32> to vector<16x1xi32>
        %parallel_loop3A_297 = vector.shape_cast %parallel_loop3A_296 : vector<16x1xi32> to vector<16xi32>
        %parallel_loop3A_298 = tpu.dynamic_gather %parallel_loop3A_289[%parallel_loop3A_297] in [0] : vector<16xi32>, vector<16xi32> -> vector<16xi32>
        %parallel_loop3A_299 = arith.addi %parallel_loop3A_298, %add3A_25 : vector<16xi32>
        %parallel_loop3A_300 = tpu.vector_load_idx %arg6[%parallel_loop3A_299] : memref<2048xf32, #tpu.memory_space<vmem>>[vector<16xi32>], vector<16xf32>,
        %parallel_loop3A_301 = arith.mulf %parallel_loop3A_300, %parallel_loop3A_286 : vector<16xf32>
        %parallel_loop3A_302 = arith.constant 0 : i32
        %parallel_loop3A_303 = arith.addi %parallel_loop3A_295, %parallel_loop3A_302 : i32
        %parallel_loop3A_304 = arith.index_cast %parallel_loop3A_291 : i32 to index
        %parallel_loop3A_305 = arith.index_cast %parallel_loop3A_303 : i32 to index
        %parallel_loop3A_306 = tpu.vector_load %arg15[%parallel_loop3A_304, %parallel_loop3A_305] {strides = array<i32>} : memref<8x4096xf32, #tpu.memory_space<vmem>>, vector<16xf32>,
        tpu.vector_store %arg15[%parallel_loop3A_304, %parallel_loop3A_305], %parallel_loop3A_301 {strides = array<i32>} : memref<8x4096xf32, #tpu.memory_space<vmem>>, vector<16xf32>,
        %parallel_loop3A_307 = vector.shape_cast %add3A_36 : vector<16xi32> to vector<16x1xi32>
        %parallel_loop3A_308 = vector.shape_cast %parallel_loop3A_307 : vector<16x1xi32> to vector<16xi32>
        %parallel_loop3A_309 = tpu.dynamic_gather %parallel_loop3A_289[%parallel_loop3A_308] in [0] : vector<16xi32>, vector<16xi32> -> vector<16xi32>
        %parallel_loop3A_310 = arith.addi %parallel_loop3A_309, %add3A_25 : vector<16xi32>
        %parallel_loop3A_311 = tpu.vector_load_idx %arg6[%parallel_loop3A_310] : memref<2048xf32, #tpu.memory_space<vmem>>[vector<16xi32>], vector<16xf32>,
        %parallel_loop3A_312 = arith.mulf %parallel_loop3A_311, %parallel_loop3A_286 : vector<16xf32>
        %parallel_loop3A_313 = arith.constant 16 : i32
        %parallel_loop3A_314 = arith.addi %parallel_loop3A_295, %parallel_loop3A_313 : i32
        %parallel_loop3A_315 = arith.index_cast %parallel_loop3A_291 : i32 to index
        %parallel_loop3A_316 = arith.index_cast %parallel_loop3A_314 : i32 to index
        %parallel_loop3A_317 = tpu.vector_load %arg15[%parallel_loop3A_315, %parallel_loop3A_316] {strides = array<i32>} : memref<8x4096xf32, #tpu.memory_space<vmem>>, vector<16xf32>,
        tpu.vector_store %arg15[%parallel_loop3A_315, %parallel_loop3A_316], %parallel_loop3A_312 {strides = array<i32>} : memref<8x4096xf32, #tpu.memory_space<vmem>>, vector<16xf32>,
        %parallel_loop3A_318 = vector.shape_cast %add3A_42 : vector<16xi32> to vector<16x1xi32>
        %parallel_loop3A_319 = vector.shape_cast %parallel_loop3A_318 : vector<16x1xi32> to vector<16xi32>
        %parallel_loop3A_320 = tpu.dynamic_gather %parallel_loop3A_289[%parallel_loop3A_319] in [0] : vector<16xi32>, vector<16xi32> -> vector<16xi32>
        %parallel_loop3A_321 = arith.addi %parallel_loop3A_320, %add3A_25 : vector<16xi32>
        %parallel_loop3A_322 = tpu.vector_load_idx %arg6[%parallel_loop3A_321] : memref<2048xf32, #tpu.memory_space<vmem>>[vector<16xi32>], vector<16xf32>,
        %parallel_loop3A_323 = arith.mulf %parallel_loop3A_322, %parallel_loop3A_286 : vector<16xf32>
        %parallel_loop3A_324 = arith.constant 32 : i32
        %parallel_loop3A_325 = arith.addi %parallel_loop3A_295, %parallel_loop3A_324 : i32
        %parallel_loop3A_326 = arith.index_cast %parallel_loop3A_291 : i32 to index
        %parallel_loop3A_327 = arith.index_cast %parallel_loop3A_325 : i32 to index
        %parallel_loop3A_328 = tpu.vector_load %arg15[%parallel_loop3A_326, %parallel_loop3A_327] {strides = array<i32>} : memref<8x4096xf32, #tpu.memory_space<vmem>>, vector<16xf32>,
        tpu.vector_store %arg15[%parallel_loop3A_326, %parallel_loop3A_327], %parallel_loop3A_323 {strides = array<i32>} : memref<8x4096xf32, #tpu.memory_space<vmem>>, vector<16xf32>,
        %parallel_loop3A_329 = vector.shape_cast %add3A_48 : vector<16xi32> to vector<16x1xi32>
        %parallel_loop3A_330 = vector.shape_cast %parallel_loop3A_329 : vector<16x1xi32> to vector<16xi32>
        %parallel_loop3A_331 = tpu.dynamic_gather %parallel_loop3A_289[%parallel_loop3A_330] in [0] : vector<16xi32>, vector<16xi32> -> vector<16xi32>
        %parallel_loop3A_332 = arith.addi %parallel_loop3A_331, %add3A_25 : vector<16xi32>
        %parallel_loop3A_333 = tpu.vector_load_idx %arg6[%parallel_loop3A_332] : memref<2048xf32, #tpu.memory_space<vmem>>[vector<16xi32>], vector<16xf32>,
        %parallel_loop3A_334 = arith.mulf %parallel_loop3A_333, %parallel_loop3A_286 : vector<16xf32>
        %parallel_loop3A_335 = arith.constant 48 : i32
        %parallel_loop3A_336 = arith.addi %parallel_loop3A_295, %parallel_loop3A_335 : i32
        %parallel_loop3A_337 = arith.index_cast %parallel_loop3A_291 : i32 to index
        %parallel_loop3A_338 = arith.index_cast %parallel_loop3A_336 : i32 to index
        %parallel_loop3A_339 = tpu.vector_load %arg15[%parallel_loop3A_337, %parallel_loop3A_338] {strides = array<i32>} : memref<8x4096xf32, #tpu.memory_space<vmem>>, vector<16xf32>,
        tpu.vector_store %arg15[%parallel_loop3A_337, %parallel_loop3A_338], %parallel_loop3A_334 {strides = array<i32>} : memref<8x4096xf32, #tpu.memory_space<vmem>>, vector<16xf32>,
      } {sc.loop_unroll_factor = 4 : i64, sc.parallel_access}
      %mul3A_265 = arith.constant 8 : i32
      %mul3A_266 = arith.muli %add3A_248, %mul3A_265 : i32
      %multiple_of3A_267 = tpu.assume_multiple %mul3A_266, 8 : i32
      %dma_start3A_268 = arith.constant 0 : i32
      %dma_start3A_269 = tpu.memref_slice %arg5[%multiple_of3A_267, %dma_start3A_268] : memref<4096x4096xf32, #tpu.memory_space<hbm>> -> memref<8x4096xf32, #tpu.memory_space<hbm>>
      %dma_start3A_270 = arith.constant 0 : i32
      %dma_start3A_271 = tpu.memref_slice %arg5[%multiple_of3A_267, %dma_start3A_270] : memref<4096x4096xf32, #tpu.memory_space<hbm>> -> memref<8x4096xf32, #tpu.memory_space<hbm>>
      tpu.enqueue_dma source(%arg15 : memref<8x4096xf32, #tpu.memory_space<vmem>>) target(%dma_start3A_271 : memref<8x4096xf32, #tpu.memory_space<hbm>>) target_semaphore(%arg21 : memref<!tpu.dma_semaphore, #tpu.memory_space<semaphore_mem>>)
      %add3A_272 = arith.constant 2 : i32
      %add3A_273 = arith.addi %add3A_243, %add3A_272 : i32
      %lt3A_274 = arith.constant 16 : i32
      %lt3A_275 = arith.cmpi slt, %add3A_273, %lt3A_274 : i32
      %convert_element_type3A_276 = arith.extui %lt3A_275 : i1 to i32
      %cond3A_277 = arith.constant 0 : i32
      %cond3A_278 = arith.cmpi ne, %convert_element_type3A_276, %cond3A_277 : i32
      scf.if %cond3A_278 {
        %add3A_280 = arith.constant 2 : i32
        %add3A_281 = arith.addi %add3A_243, %add3A_280 : i32
        %mul3A_282 = arith.constant 16 : i32
        %mul3A_283 = arith.muli %add3A, %mul3A_282 : i32
        %add3A_284 = arith.addi %mul3A_283, %add3A_281 : i32
        %jit3A_285 = arith.constant 256 : i32
        %eq3A_286 = arith.constant 0 : i32
        %eq3A_287 = arith.cmpi eq, %jit3A_285, %eq3A_286 : i32
        %jit3A_288 = arith.constant 1 : i32
        %select_n3A_289 = arith.select %eq3A_287, %jit3A_288, %jit3A_285 : i32
        %rem3A_290 = arith.remsi %add3A_284, %select_n3A_289 : i32
        %ne3A_291 = arith.constant 0 : i32
        %ne3A_292 = arith.cmpi ne, %rem3A_290, %ne3A_291 : i32
        %lt3A_293 = arith.constant 0 : i32
        %lt3A_294 = arith.cmpi slt, %rem3A_290, %lt3A_293 : i32
        %lt3A_295 = arith.constant 0 : i32
        %lt3A_296 = arith.cmpi slt, %select_n3A_289, %lt3A_295 : i32
        %ne3A_297 = arith.xori %lt3A_294, %lt3A_296 : i1
        %and3A_298 = arith.andi %ne3A_297, %ne3A_292 : i1
        %add3A_299 = arith.addi %rem3A_290, %select_n3A_289 : i32
        %select_n3A_300 = arith.select %and3A_298, %add3A_299, %rem3A_290 : i32
        %mul3A_301 = arith.constant 8192 : i32
        %mul3A_302 = arith.muli %select_n3A_300, %mul3A_301 : i32
        %multiple_of3A_303 = tpu.assume_multiple %mul3A_302, 8192 : i32
        %dma_start3A_304 = tpu.memref_slice %arg2[%select_n3A, %multiple_of3A_303] : memref<2x2097152xi32, #tpu.memory_space<hbm>> -> memref<1x8192xi32, #tpu.memory_space<hbm>>
        %dma_start3A_305 = tpu.memref_squeeze %dma_start3A_304 : memref<1x8192xi32, #tpu.memory_space<hbm>> -> memref<8192xi32, #tpu.memory_space<hbm>>
        %dma_start3A_306 = tpu.memref_slice %arg2[%select_n3A, %multiple_of3A_303] : memref<2x2097152xi32, #tpu.memory_space<hbm>> -> memref<1x8192xi32, #tpu.memory_space<hbm>>
        %dma_start3A_307 = tpu.memref_squeeze %dma_start3A_306 : memref<1x8192xi32, #tpu.memory_space<hbm>> -> memref<8192xi32, #tpu.memory_space<hbm>>
        tpu.enqueue_dma source(%dma_start3A_307 : memref<8192xi32, #tpu.memory_space<hbm>>) target(%arg8 : memref<8192xi32, #tpu.memory_space<vmem>>) target_semaphore(%arg17 : memref<!tpu.dma_semaphore, #tpu.memory_space<semaphore_mem>>)
        %mul3A_308 = arith.constant 512 : i32
        %mul3A_309 = arith.muli %add3A_284, %mul3A_308 : i32
        %multiple_of3A_310 = tpu.assume_multiple %mul3A_309, 512 : i32
        %dma_start3A_311 = tpu.memref_slice %arg4[%multiple_of3A_310] : memref<262144xf32, #tpu.memory_space<hbm>> -> memref<512xf32, #tpu.memory_space<hbm>>
        %dma_start3A_312 = tpu.memref_slice %arg4[%multiple_of3A_310] : memref<262144xf32, #tpu.memory_space<hbm>> -> memref<512xf32, #tpu.memory_space<hbm>>
        tpu.enqueue_dma source(%dma_start3A_312 : memref<512xf32, #tpu.memory_space<hbm>>) target(%arg11 : memref<512xf32, #tpu.memory_space<vmem>>) target_semaphore(%arg17 : memref<!tpu.dma_semaphore, #tpu.memory_space<semaphore_mem>>)
      } else {
      }
      %scan3A_279 = arith.constant 0 : i32
      scf.yield %scan3A_279 : i32
    }
    %scan3A_114 = arith.constant 5 : i32
    %mul3A_115 = arith.constant 16 : i32
    %mul3A_116 = arith.muli %add3A, %mul3A_115 : i32
    %add3A_117 = arith.constant 15 : i32
    %add3A_118 = arith.addi %mul3A_116, %add3A_117 : i32
    %dma_wait3A = arith.constant 0 : i32
    %dma_wait3A_119 = tpu.memref_slice %arg2[%select_n3A, %dma_wait3A] : memref<2x2097152xi32, #tpu.memory_space<hbm>> -> memref<1x8192xi32, #tpu.memory_space<hbm>>
    %dma_wait3A_120 = tpu.memref_squeeze %dma_wait3A_119 : memref<1x8192xi32, #tpu.memory_space<hbm>> -> memref<8192xi32, #tpu.memory_space<hbm>>
    %dma_wait3A_121 = arith.constant 0 : i32
    %dma_wait3A_122 = tpu.memref_slice %arg2[%select_n3A, %dma_wait3A_121] : memref<2x2097152xi32, #tpu.memory_space<hbm>> -> memref<1x8192xi32, #tpu.memory_space<hbm>>
    %dma_wait3A_123 = tpu.memref_squeeze %dma_wait3A_122 : memref<1x8192xi32, #tpu.memory_space<hbm>> -> memref<8192xi32, #tpu.memory_space<hbm>>
    tpu.wait_dma2 semaphore(%arg16 : memref<!tpu.dma_semaphore, #tpu.memory_space<semaphore_mem>>) src(%dma_wait3A_123 : memref<8192xi32, #tpu.memory_space<hbm>>) dst(%arg7 : memref<8192xi32, #tpu.memory_space<vmem>>)
    %dma_wait3A_124 = arith.constant 0 : i32
    %dma_wait3A_125 = tpu.memref_slice %arg4[%dma_wait3A_124] : memref<262144xf32, #tpu.memory_space<hbm>> -> memref<512xf32, #tpu.memory_space<hbm>>
    %dma_wait3A_126 = arith.constant 0 : i32
    %dma_wait3A_127 = tpu.memref_slice %arg4[%dma_wait3A_126] : memref<262144xf32, #tpu.memory_space<hbm>> -> memref<512xf32, #tpu.memory_space<hbm>>
    tpu.wait_dma2 semaphore(%arg16 : memref<!tpu.dma_semaphore, #tpu.memory_space<semaphore_mem>>) src(%dma_wait3A_127 : memref<512xf32, #tpu.memory_space<hbm>>) dst(%arg10 : memref<512xf32, #tpu.memory_space<vmem>>)
    %cond3A = arith.constant 1 : i32
    %mul3A_128 = arith.constant 8 : i32
    %mul3A_129 = arith.muli %add3A_118, %mul3A_128 : i32
    %multiple_of3A_130 = tpu.assume_multiple %mul3A_129, 8 : i32
    %dma_wait3A_131 = arith.constant 0 : i32
    %dma_wait3A_132 = tpu.memref_slice %arg5[%multiple_of3A_130, %dma_wait3A_131] : memref<4096x4096xf32, #tpu.memory_space<hbm>> -> memref<8x4096xf32, #tpu.memory_space<hbm>>
    %dma_wait3A_133 = arith.constant 0 : i32
    %dma_wait3A_134 = tpu.memref_slice %arg5[%multiple_of3A_130, %dma_wait3A_133] : memref<4096x4096xf32, #tpu.memory_space<hbm>> -> memref<8x4096xf32, #tpu.memory_space<hbm>>
    tpu.wait_dma2 semaphore(%arg19 : memref<!tpu.dma_semaphore, #tpu.memory_space<semaphore_mem>>) src(%arg13 : memref<8x4096xf32, #tpu.memory_space<vmem>>) dst(%dma_wait3A_134 : memref<8x4096xf32, #tpu.memory_space<hbm>>)
    %parallel_loop3A = arith.constant 0 : i32
    %parallel_loop3A_135 = arith.constant 512 : i32
    %parallel_loop3A_136 = arith.constant 1 : i32
    scf.for %parallel_loop3A_162 = %parallel_loop3A to %parallel_loop3A_135 step %parallel_loop3A_136  : i32 {
      %parallel_loop3A_163 = arith.constant 16 : i32
      %parallel_loop3A_164 = arith.muli %parallel_loop3A_162, %parallel_loop3A_163 : i32
      %parallel_loop3A_165 = arith.index_cast %parallel_loop3A_164 : i32 to index
      %parallel_loop3A_166 = tpu.vector_load %arg7[%parallel_loop3A_165] {strides = array<i32>} : memref<8192xi32, #tpu.memory_space<vmem>>, vector<16xi32>,
      %parallel_loop3A_167 = vector.broadcast %parallel_loop3A_162 : i32 to vector<16xi32>
      %parallel_loop3A_168 = tpu.vector_load_idx %arg10[%parallel_loop3A_167] : memref<512xf32, #tpu.memory_space<vmem>>[vector<16xi32>], vector<16xf32>,
      %parallel_loop3A_169 = arith.constant 4 : i32
      %parallel_loop3A_170 = vector.broadcast %parallel_loop3A_169 : i32 to vector<16xi32>
      %parallel_loop3A_171 = arith.muli %parallel_loop3A_166, %parallel_loop3A_170 : vector<16xi32>
      %parallel_loop3A_172 = arith.constant 6 : i32
      %parallel_loop3A_173 = arith.shrsi %parallel_loop3A_162, %parallel_loop3A_172 : i32
      %parallel_loop3A_174 = arith.constant 63 : i32
      %parallel_loop3A_175 = arith.andi %parallel_loop3A_162, %parallel_loop3A_174 : i32
      %parallel_loop3A_176 = arith.constant 64 : i32
      %parallel_loop3A_177 = arith.muli %parallel_loop3A_175, %parallel_loop3A_176 : i32
      %parallel_loop3A_178 = vector.shape_cast %add3A_30 : vector<16xi32> to vector<16x1xi32>
      %parallel_loop3A_179 = vector.shape_cast %parallel_loop3A_178 : vector<16x1xi32> to vector<16xi32>
      %parallel_loop3A_180 = tpu.dynamic_gather %parallel_loop3A_171[%parallel_loop3A_179] in [0] : vector<16xi32>, vector<16xi32> -> vector<16xi32>
      %parallel_loop3A_181 = arith.addi %parallel_loop3A_180, %add3A_25 : vector<16xi32>
      %parallel_loop3A_182 = tpu.vector_load_idx %arg6[%parallel_loop3A_181] : memref<2048xf32, #tpu.memory_space<vmem>>[vector<16xi32>], vector<16xf32>,
      %parallel_loop3A_183 = arith.mulf %parallel_loop3A_182, %parallel_loop3A_168 : vector<16xf32>
      %parallel_loop3A_184 = arith.constant 0 : i32
      %parallel_loop3A_185 = arith.addi %parallel_loop3A_177, %parallel_loop3A_184 : i32
      %parallel_loop3A_186 = arith.index_cast %parallel_loop3A_173 : i32 to index
      %parallel_loop3A_187 = arith.index_cast %parallel_loop3A_185 : i32 to index
      %parallel_loop3A_188 = tpu.vector_load %arg13[%parallel_loop3A_186, %parallel_loop3A_187] {strides = array<i32>} : memref<8x4096xf32, #tpu.memory_space<vmem>>, vector<16xf32>,
      tpu.vector_store %arg13[%parallel_loop3A_186, %parallel_loop3A_187], %parallel_loop3A_183 {strides = array<i32>} : memref<8x4096xf32, #tpu.memory_space<vmem>>, vector<16xf32>,
      %parallel_loop3A_189 = vector.shape_cast %add3A_36 : vector<16xi32> to vector<16x1xi32>
      %parallel_loop3A_190 = vector.shape_cast %parallel_loop3A_189 : vector<16x1xi32> to vector<16xi32>
      %parallel_loop3A_191 = tpu.dynamic_gather %parallel_loop3A_171[%parallel_loop3A_190] in [0] : vector<16xi32>, vector<16xi32> -> vector<16xi32>
      %parallel_loop3A_192 = arith.addi %parallel_loop3A_191, %add3A_25 : vector<16xi32>
      %parallel_loop3A_193 = tpu.vector_load_idx %arg6[%parallel_loop3A_192] : memref<2048xf32, #tpu.memory_space<vmem>>[vector<16xi32>], vector<16xf32>,
      %parallel_loop3A_194 = arith.mulf %parallel_loop3A_193, %parallel_loop3A_168 : vector<16xf32>
      %parallel_loop3A_195 = arith.constant 16 : i32
      %parallel_loop3A_196 = arith.addi %parallel_loop3A_177, %parallel_loop3A_195 : i32
      %parallel_loop3A_197 = arith.index_cast %parallel_loop3A_173 : i32 to index
      %parallel_loop3A_198 = arith.index_cast %parallel_loop3A_196 : i32 to index
      %parallel_loop3A_199 = tpu.vector_load %arg13[%parallel_loop3A_197, %parallel_loop3A_198] {strides = array<i32>} : memref<8x4096xf32, #tpu.memory_space<vmem>>, vector<16xf32>,
      tpu.vector_store %arg13[%parallel_loop3A_197, %parallel_loop3A_198], %parallel_loop3A_194 {strides = array<i32>} : memref<8x4096xf32, #tpu.memory_space<vmem>>, vector<16xf32>,
      %parallel_loop3A_200 = vector.shape_cast %add3A_42 : vector<16xi32> to vector<16x1xi32>
      %parallel_loop3A_201 = vector.shape_cast %parallel_loop3A_200 : vector<16x1xi32> to vector<16xi32>
      %parallel_loop3A_202 = tpu.dynamic_gather %parallel_loop3A_171[%parallel_loop3A_201] in [0] : vector<16xi32>, vector<16xi32> -> vector<16xi32>
      %parallel_loop3A_203 = arith.addi %parallel_loop3A_202, %add3A_25 : vector<16xi32>
      %parallel_loop3A_204 = tpu.vector_load_idx %arg6[%parallel_loop3A_203] : memref<2048xf32, #tpu.memory_space<vmem>>[vector<16xi32>], vector<16xf32>,
      %parallel_loop3A_205 = arith.mulf %parallel_loop3A_204, %parallel_loop3A_168 : vector<16xf32>
      %parallel_loop3A_206 = arith.constant 32 : i32
      %parallel_loop3A_207 = arith.addi %parallel_loop3A_177, %parallel_loop3A_206 : i32
      %parallel_loop3A_208 = arith.index_cast %parallel_loop3A_173 : i32 to index
      %parallel_loop3A_209 = arith.index_cast %parallel_loop3A_207 : i32 to index
      %parallel_loop3A_210 = tpu.vector_load %arg13[%parallel_loop3A_208, %parallel_loop3A_209] {strides = array<i32>} : memref<8x4096xf32, #tpu.memory_space<vmem>>, vector<16xf32>,
      tpu.vector_store %arg13[%parallel_loop3A_208, %parallel_loop3A_209], %parallel_loop3A_205 {strides = array<i32>} : memref<8x4096xf32, #tpu.memory_space<vmem>>, vector<16xf32>,
      %parallel_loop3A_211 = vector.shape_cast %add3A_48 : vector<16xi32> to vector<16x1xi32>
      %parallel_loop3A_212 = vector.shape_cast %parallel_loop3A_211 : vector<16x1xi32> to vector<16xi32>
      %parallel_loop3A_213 = tpu.dynamic_gather %parallel_loop3A_171[%parallel_loop3A_212] in [0] : vector<16xi32>, vector<16xi32> -> vector<16xi32>
      %parallel_loop3A_214 = arith.addi %parallel_loop3A_213, %add3A_25 : vector<16xi32>
      %parallel_loop3A_215 = tpu.vector_load_idx %arg6[%parallel_loop3A_214] : memref<2048xf32, #tpu.memory_space<vmem>>[vector<16xi32>], vector<16xf32>,
      %parallel_loop3A_216 = arith.mulf %parallel_loop3A_215, %parallel_loop3A_168 : vector<16xf32>
      %parallel_loop3A_217 = arith.constant 48 : i32
      %parallel_loop3A_218 = arith.addi %parallel_loop3A_177, %parallel_loop3A_217 : i32
      %parallel_loop3A_219 = arith.index_cast %parallel_loop3A_173 : i32 to index
      %parallel_loop3A_220 = arith.index_cast %parallel_loop3A_218 : i32 to index
      %parallel_loop3A_221 = tpu.vector_load %arg13[%parallel_loop3A_219, %parallel_loop3A_220] {strides = array<i32>} : memref<8x4096xf32, #tpu.memory_space<vmem>>, vector<16xf32>,
      tpu.vector_store %arg13[%parallel_loop3A_219, %parallel_loop3A_220], %parallel_loop3A_216 {strides = array<i32>} : memref<8x4096xf32, #tpu.memory_space<vmem>>, vector<16xf32>,
    } {sc.loop_unroll_factor = 4 : i64, sc.parallel_access}
    %mul3A_137 = arith.constant 8 : i32
    %mul3A_138 = arith.muli %add3A_118, %mul3A_137 : i32
    %multiple_of3A_139 = tpu.assume_multiple %mul3A_138, 8 : i32
    %dma_start3A_140 = arith.constant 0 : i32
    %dma_start3A_141 = tpu.memref_slice %arg5[%multiple_of3A_139, %dma_start3A_140] : memref<4096x4096xf32, #tpu.memory_space<hbm>> -> memref<8x4096xf32, #tpu.memory_space<hbm>>
    %dma_start3A_142 = arith.constant 0 : i32
    %dma_start3A_143 = tpu.memref_slice %arg5[%multiple_of3A_139, %dma_start3A_142] : memref<4096x4096xf32, #tpu.memory_space<hbm>> -> memref<8x4096xf32, #tpu.memory_space<hbm>>
    tpu.enqueue_dma source(%arg13 : memref<8x4096xf32, #tpu.memory_space<vmem>>) target(%dma_start3A_143 : memref<8x4096xf32, #tpu.memory_space<hbm>>) target_semaphore(%arg19 : memref<!tpu.dma_semaphore, #tpu.memory_space<semaphore_mem>>)
    %multiple_of3A_144 = arith.constant 0 : i32
    %multiple_of3A_145 = tpu.assume_multiple %multiple_of3A_144, 8 : i32
    %dma_wait3A_146 = arith.constant 0 : i32
    %dma_wait3A_147 = tpu.memref_slice %arg5[%multiple_of3A_145, %dma_wait3A_146] : memref<4096x4096xf32, #tpu.memory_space<hbm>> -> memref<8x4096xf32, #tpu.memory_space<hbm>>
    %dma_wait3A_148 = arith.constant 0 : i32
    %dma_wait3A_149 = tpu.memref_slice %arg5[%multiple_of3A_145, %dma_wait3A_148] : memref<4096x4096xf32, #tpu.memory_space<hbm>> -> memref<8x4096xf32, #tpu.memory_space<hbm>>
    tpu.wait_dma2 semaphore(%arg19 : memref<!tpu.dma_semaphore, #tpu.memory_space<semaphore_mem>>) src(%arg13 : memref<8x4096xf32, #tpu.memory_space<vmem>>) dst(%dma_wait3A_149 : memref<8x4096xf32, #tpu.memory_space<hbm>>)
    %multiple_of3A_150 = arith.constant 0 : i32
    %multiple_of3A_151 = tpu.assume_multiple %multiple_of3A_150, 8 : i32
    %dma_wait3A_152 = arith.constant 0 : i32
    %dma_wait3A_153 = tpu.memref_slice %arg5[%multiple_of3A_151, %dma_wait3A_152] : memref<4096x4096xf32, #tpu.memory_space<hbm>> -> memref<8x4096xf32, #tpu.memory_space<hbm>>
    %dma_wait3A_154 = arith.constant 0 : i32
    %dma_wait3A_155 = tpu.memref_slice %arg5[%multiple_of3A_151, %dma_wait3A_154] : memref<4096x4096xf32, #tpu.memory_space<hbm>> -> memref<8x4096xf32, #tpu.memory_space<hbm>>
    tpu.wait_dma2 semaphore(%arg20 : memref<!tpu.dma_semaphore, #tpu.memory_space<semaphore_mem>>) src(%arg14 : memref<8x4096xf32, #tpu.memory_space<vmem>>) dst(%dma_wait3A_155 : memref<8x4096xf32, #tpu.memory_space<hbm>>)
    %multiple_of3A_156 = arith.constant 0 : i32
    %multiple_of3A_157 = tpu.assume_multiple %multiple_of3A_156, 8 : i32
    %dma_wait3A_158 = arith.constant 0 : i32
    %dma_wait3A_159 = tpu.memref_slice %arg5[%multiple_of3A_157, %dma_wait3A_158] : memref<4096x4096xf32, #tpu.memory_space<hbm>> -> memref<8x4096xf32, #tpu.memory_space<hbm>>
    %dma_wait3A_160 = arith.constant 0 : i32
    %dma_wait3A_161 = tpu.memref_slice %arg5[%multiple_of3A_157, %dma_wait3A_160] : memref<4096x4096xf32, #tpu.memory_space<hbm>> -> memref<8x4096xf32, #tpu.memory_space<hbm>>
    tpu.wait_dma2 semaphore(%arg21 : memref<!tpu.dma_semaphore, #tpu.memory_space<semaphore_mem>>) src(%arg15 : memref<8x4096xf32, #tpu.memory_space<vmem>>) dst(%dma_wait3A_161 : memref<8x4096xf32, #tpu.memory_space<hbm>>)
    return
  }
}

</mosaic_0001>

<sc_bundles>
// kernel: _dequant.3.cloned.1.call-start
scs
__scs_entry_jumppad:
0x0: {  	(pc) =	sbr.rel $0x88, $3  }
0x1: {  	(tag) =	ssettag $0x0;
	lr =	simm.s32 $0x1  }
0x2: {  	[smem:$0x3F9E] =	sst lr;
	_ =	strace $0xD0000000  }
0x3: {  	_ = 	snop  }
0x4: {  	_ = 	snop  }
0x5: {  	_ = 	snop  }
0x6: {  	_ = 	snop  }
0x7: {  	_ = 	snop  }
__scs_overlays_trampoline_lowered:
0x8: {  	[smem:$0x3FAD] =	sst s0  }
0x9: {  	[smem:$0x3FAE] =	sst s1  }
0xa: {  	[smem:$0x3FAF] =	sst s2  }
0xb: {  	[smem:$0x3FB0] =	sst s3  }
0xc: {  	[smem:$0x3FB1] =	sst s4  }
0xd: {  	[smem:$0x3FB2] =	sst s5  }
0xe: {  	[smem:$0x3FB3] =	sst s6  }
0xf: {  	[smem:$0x3FB4] =	sst s7  }
0x10: {  	[smem:$0x3FB5] =	sst s8  }
0x11: {  	[smem:$0x3FB6] =	sst s9;
	s0 =	simm.s32 @!p0 $0x0  }
0x12: {  	s1 =	sld [smem:$0x3F9C];
	s0 =	simm.s32 @p0 $0x1  }
0x13: {  	[smem:$0x3FB7] =	sst s0;
	s0 =	simm.s32 @!p1 $0x0  }
0x14: {  	s2 =	sld [smem:$0x3F9B];
	s0 =	simm.s32 @p1 $0x1  }
0x15: {  	[smem:$0x3FB8] =	sst s0;
	s0 =	simm.s32 @!p2 $0x0  }
0x16: {  	s3 =	sld [smem:$0x3FDB];
	s0 =	simm.s32 @p2 $0x1  }
0x17: {  	s4 =	simm.s32 $0x1BF5;
	[smem:$0x3FBA] =	sst s0  }
0x18: {  	s0 =	sld [smem:$0x3F9D];
	_ =	swait.ge [sflag:s4], $0x0  }
0x19: {  	s7 =	sld [smem:$0x3F9E]  }
0x1a: {  	s8 =	sadd.s32 $0xFFFFE003, lr  }
0x1b: {  	s9 =	sadd.s32 $0xFFFFFEF7, lr;
	s5 =	simm.s32 $0xFFFFFFFF;
	p2 =	slt.u32 s8, $0xFFFFF086  }
0x1c: {  	p1 =	slt.u32 s9, $0xF7A;
	s5 =	simm.s32 @!p2 $0x0  }
0x1d: {  	s5 =	simm.s32 @p1 $0x1;
	p0 =	seq.s32 s7, s2  }
0x1e: {  	s7 =	smul.u32 @!p0 $0xF7A, s2;
	p2 =	seq.s32 @!p0 s5, $0x0  }
0x1f: {  	s9 =	smul.u32 $0xF7A, s1;
	s8 =	simm.s32 @!p0 $0x1BF5;
	p2 =	por !p2, p0  }
0x20: {  	[sflag:s8] =	ssyncset.s32 @!p0 $0xFFFFF086;
	s6 =	sadd.s32 @!p0 s3, s7;
	s7 =	simm.s32 @!p0 $0x108  }
0x21: {  	s3 =	sadd.s32 s3, s9;
	s6 =	sadd.s32 @!p0 $0x88, s6;
	s7 =	simm.s32 @p2 $0x1082  }
0x22: {  	[simem:s7], [sflag:s8] =	dma.local @!p0 [hbm:s6], $0xF7A  }
0x23: {  	s9 =	sor.u32 $0xD0000000, s2;
	s6 =	simm.s32 $0x108;
	_ =	swait.ge @!p0 [sflag:s8], $0x0  }
0x24: {  	s3 =	sadd.s32 $0x88, s3;
	s6 =	simm.s32 @!p1 $0x1082;
	[sflag:s4] =	ssyncset.s32 $0xFFFFF086  }
0x25: {  	[simem:s6], [sflag:s4] =	dma.local [hbm:s3], $0xF7A  }
0x26: {  	[smem:$0x3F9E] =	sst s1;
	(tag) =	ssettag s2;
	_ =	strace s9  }
0x27: {  	s1 =	sld [smem:$0x3FAE]  }
0x28: {  	s2 =	sld [smem:$0x3FAF]  }
0x29: {  	s4 =	sld [smem:$0x3FB1]  }
0x2a: {  	p0 =	seq.s32 s5, $0x0;
	s5 =	sld [smem:$0x3FB2]  }
0x2b: {  	s6 =	sld [smem:$0x3FB3]  }
0x2c: {  	s7 =	sld [smem:$0x3FB4]  }
0x2d: {  	s3 =	simm.s32 $0x108;
	s8 =	sld [smem:$0x3FB5]  }
0x2e: {  	s3 =	simm.s32 @!p0 $0x1082;
	s9 =	sld [smem:$0x3FB6]  }
0x2f: {  	lr =	sadd.s32 s0, s3;
	s0 =	sld [smem:$0x3FAD]  }
0x30: {  	s3 =	sld [smem:$0x3FB0]  }
0x31: {  	[smem:$0x3FB9] =	sst s10  }
0x32: {  	s10 =	sld [smem:$0x3FB7];
	_ =	sdelay $0x3  }
0x33: {  	p0 =	seq.s32 s10, $0x1;
	s10 =	sld [smem:$0x3FB9];
	_ =	sdelay $0x3  }
0x34: {  	[smem:$0x3FB9] =	sst s10  }
0x35: {  	s10 =	sld [smem:$0x3FB8];
	_ =	sdelay $0x3  }
0x36: {  	p1 =	seq.s32 s10, $0x1;
	s10 =	sld [smem:$0x3FB9];
	_ =	sdelay $0x3  }
0x37: {  	[smem:$0x3FB9] =	sst s10  }
0x38: {  	s10 =	sld [smem:$0x3FBA]  }
0x39: {  	_ = 	snop;
	(pc) =	sbr.ind lr, $3  }
0x3a: {  	_ = 	snop  }
0x3b: {  	_ = 	snop  }
0x3c: {  	p2 =	seq.s32 s10, $0x1;
	s10 =	sld [smem:$0x3FB9]  }
0x3d: {  	_ =	shalt  }
0x3e: {  	_ =	shalt  }
0x3f: {  	_ =	shalt  }
0x40: {  	_ =	shalt  }
0x41: {  	_ =	shalt  }
0x42: {  	_ =	shalt  }
0x43: {  	_ =	shalt  }
0x44: {  	_ =	shalt  }
0x45: {  	_ =	shalt  }
0x46: {  	_ =	shalt  }
0x47: {  	_ =	shalt  }
0x48: {  	_ =	shalt  }
0x49: {  	_ =	shalt  }
0x4a: {  	_ =	shalt  }
0x4b: {  	_ =	shalt  }
0x4c: {  	_ =	shalt  }
0x4d: {  	_ =	shalt  }
0x4e: {  	_ =	shalt  }
0x4f: {  	_ =	shalt  }
0x50: {  	_ =	shalt  }
0x51: {  	_ =	shalt  }
0x52: {  	_ =	shalt  }
0x53: {  	_ =	shalt  }
0x54: {  	_ =	shalt  }
0x55: {  	_ =	shalt  }
0x56: {  	_ =	shalt  }
0x57: {  	_ =	shalt  }
0x58: {  	_ =	shalt  }
0x59: {  	_ =	shalt  }
0x5a: {  	_ =	shalt  }
0x5b: {  	_ =	shalt  }
0x5c: {  	_ =	shalt  }
0x5d: {  	_ =	shalt  }
0x5e: {  	_ =	shalt  }
0x5f: {  	_ =	shalt  }
0x60: {  	_ =	shalt  }
0x61: {  	_ =	shalt  }
0x62: {  	_ =	shalt  }
0x63: {  	_ =	shalt  }
0x64: {  	_ =	shalt  }
0x65: {  	_ =	shalt  }
0x66: {  	_ =	shalt  }
0x67: {  	_ =	shalt  }
0x68: {  	_ =	shalt  }
0x69: {  	_ =	shalt  }
0x6a: {  	_ =	shalt  }
0x6b: {  	_ =	shalt  }
0x6c: {  	_ =	shalt  }
0x6d: {  	_ =	shalt  }
0x6e: {  	_ =	shalt  }
0x6f: {  	_ =	shalt  }
0x70: {  	_ =	shalt  }
0x71: {  	_ =	shalt  }
0x72: {  	_ =	shalt  }
0x73: {  	_ =	shalt  }
0x74: {  	_ =	shalt  }
0x75: {  	_ =	shalt  }
0x76: {  	_ =	shalt  }
0x77: {  	_ =	shalt  }
0x78: {  	_ =	shalt  }
0x79: {  	_ =	shalt  }
0x7a: {  	_ =	shalt  }
0x7b: {  	_ =	shalt  }
0x7c: {  	_ =	shalt  }
0x7d: {  	_ =	shalt  }
0x7e: {  	_ =	shalt  }
0x7f: {  	_ =	shalt  }
0x80: {  	_ =	shalt  }
0x81: {  	_ =	shalt  }
0x82: {  	_ =	shalt  }
0x83: {  	_ =	shalt  }
0x84: {  	_ =	shalt  }
0x85: {  	_ =	shalt  }
0x86: {  	_ =	shalt  }
0x87: {  	_ =	shalt  }
.Lfunc_end0:
.L_simem_size_0:
called_computation_lowered:
.L_overlay_start_0:
0x88: {  	s2 =	sld [smem:$0x3FD9]  }
0x89: {  	s3 =	sld [smem:$0x3FFE];
	_ =	sdelay $0x1  }
0x8a: {  	s1 =	srdreg.scid  }
0x8b: {  	s0 =	sand.u32 $0x1, s1  }
0x8c: {  	s18 =	sshll.u32 s0, $0xA;
	s2 =	sadd.s32 s3, s2  }
0x8d: {  	s2 =	sadd.s32 s2, s18  }
0x8e: {  	[smem:$0x3FC5] =	sst s2  }
0x8f: {  	_ = 	snop  }
0x90: {  	s2 =	sld [smem:$0x3FC9]  }
0x91: {  	s19 =	sld [smem:$0x3FC8]  }
0x92: {  	s4 =	sld [smem:$0x3FC7]  }
0x93: {  	s5 =	sld [smem:$0x3FD0];
	(tm) =	ssettm $0x1  }
0x94: {  	s6 =	sld [smem:$0x3FFB];
	_ =	sdelay $0x3  }
0x95: {  	_ =	strace s6  }
0x96: {  	s6 =	sld [smem:$0x3FFC];
	_ =	sdelay $0x3  }
0x97: {  	_ =	strace s6  }
0x98: {  	s6 =	sld [smem:$0x3FFD];
	_ =	sdelay $0x3  }
0x99: {  	_ =	strace s6  }
0x9a: {  	_ =	strace $0x8FFFFFFF  }
0x9b: {  	s20 =	sld [smem:$0x3FDB];
	_ =	sdelay $0x1  }
0x9c: {  	s7 =	simm.s32 $_scs_section_size  }
0x9d: {  	s8 =	simm.s32 $_size__tile_overlayer_lowered;
	s9 =	simm.s32 $_tile_overlayer_lowered  }
0x9e: {  	s23 =	simm.s32 $0x1BFF;
	s22 =	sshll.u32 s9, $0x1;
	s6 =	sadd.s32 s7, s20  }
0x9f: {  	s10 =	simm.s32 $0x0;
	s21 =	sshll.u32 s8, $0x1;
	s8 =	sadd.s32 s22, s6  }
0xa0: {  	[timem:s10], [sflag:s23] =	dma.local [hbm:s8], s21  }
0xa1: {  	_ =	swait.ge [sflag:s23], s21  }
0xa2: {  	s7 =	ssub.s32 $0x0, s21;
	[sflag:s23] =	ssyncset.done $0x0  }
0xa3: {  	[sflag:s23] =	ssyncadd.s32 s7;
	_ =	sdelay $0x1  }
0xa4: {  	s24 =	simm.s32 $0x1B8B  }
0xa5: {  	_ =	swait.ge [sflag:s24], $0x1  }
0xa6: {  	[sflag:s24] =	ssyncset.done $0x0  }
0xa7: {  	s25 =	simm.s32 $0x1B8E;
	[sflag:s24] =	ssyncadd.s32 $0xFFFFFFFF  }
0xa8: {  	s26 =	simm.s32 $execute0_lowered;
	[smem:$0x3FD2] =	sst s25  }
0xa9: {  	s7 =	sshll.u32 s26, $0x1;
	_ =	strace $0x80000046;
	[dreg:$0x1] =	wrdreg $0xFFFFFFFF  }
0xaa: {  	s28 =	simm.s32 $_size_execute0_lowered;
	s6 =	sadd.s32 s6, s7;
	[dreg:$0x0] =	wrdreg $0x0  }
0xab: {  	s7 =	sshll.u32 s28, $0x1;
	[dreg:$0x2] =	wrdreg s6  }
0xac: {  	[dreg:$0x3] =	wrdreg s7  }
0xad: {  	[dreg:$0x4] =	wrdreg $0xC0  }
0xae: {  	_ =	task [dreg:s10], $0x5FFFF  }
0xaf: {  	[dreg:$0x1] =	wrdreg $0xFFFFFFFF  }
0xb0: {  	[dreg:$0x0] =	wrdreg $0x60  }
0xb1: {  	[dreg:$0x2] =	wrdreg s2  }
0xb2: {  	[dreg:$0x3] =	wrdreg s19  }
0xb3: {  	[dreg:$0x4] =	wrdreg s4  }
0xb4: {  	[dreg:$0x5] =	wrdreg s5  }
0xb5: {  	[dreg:$0x6] =	wrdreg $0x9  }
0xb6: {  	_ =	task.clear_ibuf [dreg:s10], $0x7FFFF;
	_ =	strace $0x90000046  }
0xb7: {  	s29 =	simm.s32 $0x9;
	_ =	strace $0x80000048  }
0xb8: {  	_ =	swait.ge [sflag:s29], $0x1  }
0xb9: {  	[sflag:s29] =	ssyncadd.s32 $0xFFFFFFFF  }
0xba: {  	_ =	strace $0x90000048  }
0xbb: {  	_ =	sfence  }
0xbc: {  	s30 =	sld [smem:$0x0];
	_ =	sdelay $0x2  }
0xbd: {  	s31 =	sshll.u32 s1, $0xD;
	s1 =	sshrl.u32 s1, $0x2  }
0xbe: {  	s3 =	sand.u32 $0x4000, s31;
	s1 =	sadd.s32 s1, s30  }
0xbf: {  	s0 =	sor.u32 s3, s0;
	s1 =	sshll.u32 s1, $0x11  }
0xc0: {  	s0 =	sor.u32 s1, s0  }
0xc1: {  	s0 =	sadd.s32 $0x8F2B, s0  }
0xc2: {  	[sflag:s0] =	ssyncadd.remote.s32 $0x1  }
0xc3: {  	_ =	sfence.sel $0xFFFF  }
0xc4: {  	[dreg:$0x0] =	wrdreg $0xFFFFFFFF;
	(pc) =	sbr.abs _section_cstart, $3  }
0xc5: {  	[dreg:$0x1] =	wrdreg $0xFFFFFFFF  }
0xc6: {  	_ =	task.clear_ibuf [dreg:s10], $0x2FFFF;
	_ =	strace $0x9FFFFFFF  }
0xc7: {  	(tm) =	ssettm $0x7FFFFFFF  }
tec
execute0_lowered:
.L_overlay_start_1:
0x0: {  	(tag) =	ssettag $0x1  }
0x1: {  	s19 =	rddreg [dreg:$0x0]  }
0x2: {  	s4 =	rddreg [dreg:$0x2]  }
0x3: {  	s5 =	rddreg [dreg:$0x3];
	s0 =	srdreg.scid  }
0x4: {  	s1 =	stileid.u32;
	s6 =	simm.s32 $0x0;
	s30 =	simm.s32 $0x6C00  }
0x5: {  	s31 =	simm.s32 $0x2;
	s0 =	sand.u32 $0x1, s0;
	s2 =	sshll.u32 s1, $0x1  }
0x6: {  	[smem:$0x7FF] =	sst s6;
	s7 =	sshrl.u32 s1, $0x3;
	s3 =	ssub.s32 $0x2, s0  }
0x7: {  	s0 =	sor.u32 s0, s2;
	_ =	strace $0x80000047;
	s9 =	sshll.u32 s7, $0x7  }
0x8: {  	s7 =	sshll.u32 s7, $0xA;
	s17 =	sshrl.u32 s3, $0x1;
	s11 =	sshll.u32 s0, $0x4  }
0x9: {  	s8 =	sshll.u32 s0, $0x12;
	s22 =	sshll.u32 s0, $0xA;
	s0 =	sshll.u32 s0, $0x10  }
0xa: {  	s18 =	sor.u32 $0x1, s11;
	s8 =	sand.u32 $0x3C0000, s8;
	[dreg:$0x5] =	wrdreg s11  }
0xb: {  	s2 =	ssub.s32 s3, s17;
	s25 =	sor.u32 $0x2, s11;
	[dreg:$0x6] =	wrdreg s18  }
0xc: {  	s26 =	sor.u32 $0x3, s11;
	s28 =	sor.u32 $0x4, s11;
	[dreg:$0xb] =	wrdreg s25  }
0xd: {  	s0 =	sadd.s32 s0, s5;
	s10 =	sshll.u32 s18, $0xE;
	[dreg:$0xc] =	wrdreg s26  }
0xe: {  	s20 =	sor.u32 s9, s8;
	s24 =	sshll.u32 s18, $0x6;
	[dreg:$0xd] =	wrdreg s28  }
0xf: {  	s0 =	sadd.s32 $0xF000, s0;
	s29 =	smax.u32 s2, $0x1;
	s26 =	simm.s32 $0x1  }
0x10: {  	s2 =	simm.s32 $0x0;
	s21 =	sand.u32 $0x3C4000, s10;
	[dreg:$0xe] =	wrdreg s0  }
0x11: {  	s3 =	sshrl.u32 s20, $0x3;
	s1 =	sadd.s32 s4, s24;
	[dreg:$0xf] =	wrdreg s29  }
0x12: {  	v1 =	vlaneseq.u32;
	s8 =	sor.u32 s9, s21;
	s3 =	sadd.s32 s19, s3;
	[dreg:$0xa] =	wrdreg s1  }
0x13: {  	v0 =	vand.u32 $0x3, v1;
	v1 =	vshrl.u32 v1, $0x2;
	[dreg:$0x7] =	wrdreg s3;
	s8 =	sshrl.u32 s8, $0x3;
	s3 =	sadd.s32 s4, s22  }
0x14: {  	v2 =	vor.u32 $0x4, v1;
	s24 =	simm.s32 $0x6A00;
	[dreg:$0x8] =	wrdreg s3;
	s23 =	sadd.s32 s19, s8  }
0x15: {  	v3 =	vor.u32 $0x8, v1;
	v4 =	vor.u32 $0xC, v1;
	v0 =	vor.u32 s7, v0;
	s22 =	simm.s32 $0x6800;
	s3 =	simm.s32 $0x3;
	[dreg:$0x9] =	wrdreg s23  }
.LBB2_1:
0x16: {  	[dreg:$0x10] =	wrdreg s2  }
0x17: {  	s0 =	rddreg [dreg:$0x7]  }
0x18: {  	s1 =	simm.s32 $0x80;
	s18 =	simm.s32 $0x100;
	s4 =	simm.s32 $0x800  }
0x19: {  	[tilespmem:s4], [sflag:$0x1] =	stream.strided.gather [hbm4b:s0+s1], $0x2000, s18, s1, $0x38;
	[tilespmem:$0x1EE00] =	vst v63  }
0x1a: {  	s20 =	rddreg [dreg:$0x8]  }
0x1b: {  	[tilespmem:s22], [sflag:$0x1] =	stream.linear.gather [hbm4b:s20+s6], $0x200, $0x38;
	[tilespmem:$0x1EE00] =	vst v63  }
0x1c: {  	s21 =	rddreg [dreg:$0x9];
	s23 =	simm.s32 $0x2800  }
0x1d: {  	[tilespmem:s23], [sflag:$0x2] =	stream.strided.gather [hbm4b:s21+s1], $0x2000, s18, s1, $0x38;
	[tilespmem:$0x1EE00] =	vst v63  }
0x1e: {  	s25 =	rddreg [dreg:$0xa]  }
0x1f: {  	[tilespmem:s24], [sflag:$0x2] =	stream.linear.gather [hbm4b:s25+s6], $0x200, $0x38;
	[tilespmem:$0x1EE00] =	vst v63  }
0x20: {  	s28 =	rddreg [dreg:$0x1];
	s29 =	simm.s32 $0x7  }
0x21: {  	[tilespmem:s6], [sflag:$0x7] =	stream.linear.gather [hbm4b:s28+s6], $0x800, $0x38;
	[tilespmem:$0x1EE00] =	vst v63  }
0x22: {  	_ =	swait.ge [sflag:s29], $0x800  }
0x23: {  	[sflag:s29] =	ssyncset.done $0x0  }
0x24: {  	s17 =	simm.s32 $0x0;
	[sflag:s29] =	ssyncadd.s32 $0xFFFFF800  }
.LBB2_2:
0x25: {  	_ =	swait.ge [sflag:s26], $0x2000  }
0x26: {  	[sflag:s26] =	ssyncset.done $0x0  }
0x27: {  	[sflag:s26] =	ssyncadd.s32 $0xFFFFE000  }
0x28: {  	_ =	swait.ge [sflag:s26], $0x200  }
0x29: {  	p0 =	seq.s32 s17, $0x0;
	[sflag:s26] =	ssyncset.done $0x0  }
0x2a: {  	s0 =	simm.s32 @!p0 $0x4;
	[sflag:s26] =	ssyncadd.s32 $0xFFFFFE00  }
0x2b: {  	_ =	swait.ge @!p0 [sflag:s0], $0x8000  }
0x2c: {  	[sflag:s0] =	ssyncset.done @!p0 $0x0  }
0x2d: {  	s4 =	simm.s32 $0x820;
	[sflag:s0] =	ssyncadd.s32 @!p0 $0xFFFF8000  }
0x2e: {  	v6 =	vld [tilespmem:s4+$0xFFFFFFE0]  }
0x2f: {  	v5 =	vld [tilespmem:s4+$0x10]  }
0x30: {  	s2 =	simm.s32 $0x0;
	v7 =	vld [tilespmem:s4+$0x0]  }
0x31: {  	s7 =	simm.s32 $0x3;
	s8 =	simm.s32 $0x2;
	v8 =	vmov s2  }
0x32: {  	v10 =	vmov s7;
	v14 =	vmov s8;
	v8 =	vand.u32 $0xFFFFFFFC, v8;
	v9 =	vld [tilespmem:s4+$0xFFFFFFF0]  }
0x33: {  	v14 =	vand.u32 $0xFFFFFFFE, v14;
	v8 =	vbroadcast v8, $0x0;
	v6 =	vshll.u32 v6, $0x2  }
0x34: {  	v14 =	vbroadcast v14, $0x0;
	v5 =	vshll.u32 v5, $0x2;
	v11 =	vperm.xlane v6, v1  }
0x35: {  	s5 =	simm.s32 $0x1;
	v7 =	vshll.u32 v7, $0x2;
	v13 =	vperm.xlane v5, v1  }
0x36: {  	v12 =	vmov s5;
	v15 =	vperm.xlane v7, v1;
	v11 =	vadd.s32 v0, v11  }
0x37: {  	v12 =	vand.u32 $0xFFFFFFFD, v12;
	v9 =	vshll.u32 v9, $0x2;
	v13 =	vadd.s32 v0, v13  }
0x38: {  	v12 =	vbroadcast v12, $0x0;
	v19 =	vld.idx.msk [tilespmem:v10+s22+$0x0], $0xffff;
	v10 =	vperm.xlane v9, v1;
	v15 =	vadd.s32 v0, v15  }
0x39: {  	v16 =	vld.idx.msk [tilespmem:v8+s22+$0x0], $0xffff  }
0x3a: {  	v18 =	vld.idx.msk [tilespmem:v14+s22+$0x0], $0xffff;
	v8 =	vadd.s32 v0, v10  }
0x3b: {  	v10 =	vld.idx.msk [tilespmem:v11+s6+$0x0], $0xffff  }
0x3c: {  	v13 =	vld.idx.msk [tilespmem:v13+s6+$0x0], $0xffff  }
0x3d: {  	s12 =	simm.s32 $0x5;
	v11 =	vperm.xlane v6, v2;
	v15 =	vld.idx.msk [tilespmem:v15+s6+$0x0], $0xffff  }
0x3e: {  	s7 =	simm.s32 $0x0;
	v26 =	vmov s12;
	v17 =	vld.idx.msk [tilespmem:v12+s22+$0x0], $0xffff;
	v14 =	vperm.xlane v5, v2;
	v20 =	vperm.xlane v5, v3  }
0x3f: {  	s13 =	simm.s32 $0x1000;
	s10 =	simm.s32 $0x860;
	s0 =	sand.u32 $0x1E000, s7;
	v21 =	vperm.xlane v6, v3;
	v12 =	vperm.xlane v7, v2;
	v8 =	vld.idx.msk [tilespmem:v8+s6+$0x0], $0xffff;
	v11 =	vadd.s32 v0, v11  }
0x40: {  	s8 =	simm.s32 $0x600;
	s2 =	sand.u32 $0x380, s2;
	s0 =	sshrl.u32 s0, $0x2;
	v22 =	vperm.xlane v9, v2;
	v14 =	vadd.s32 v0, v14;
	v10 =	vmul.f32 v10, v16  }
0x41: {  	s14 =	sand.u32 $0x7C00, s8;
	s8 =	sand.u32 $0x1F000, s13;
	v25 =	vld [tilespmem:s10+$0x10];
	s11 =	sor.u32 s2, s0;
	v24 =	vperm.xlane v7, v3;
	v12 =	vadd.s32 v0, v12;
	v13 =	vmul.f32 v13, v19  }
0x42: {  	s15 =	sshrl.u32 s8, $0x2;
	s7 =	sor.u32 s2, s14;
	v27 =	vperm.xlane v7, v4;
	v7 =	vadd.s32 v0, v22;
	v15 =	vmul.f32 v15, v18;
	[tilespmem:s11+$0x6E00] =	vst v10  }
0x43: {  	s16 =	simm.s32 $0x0;
	s20 =	simm.s32 $0x6;
	s14 =	sor.u32 s2, s15;
	v22 =	vperm.xlane v6, v4;
	v10 =	vand.u32 $0xFFFFFFFD, v26;
	[tilespmem:s7+$0x6E40] =	vst v13;
	v13 =	vperm.xlane v5, v4;
	v5 =	vld [tilespmem:s10+$0xFFFFFFE0]  }
0x44: {  	s18 =	sand.u32 $0x7800, s16;
	v8 =	vmul.f32 v8, v17;
	[tilespmem:s14+$0x6E00] =	vst v15;
	v15 =	vmov s20;
	v11 =	vld.idx.msk [tilespmem:v11+s6+$0x0], $0xffff;
	v6 =	vbroadcast v10, $0x0  }
0x45: {  	s13 =	simm.s32 $0x7;
	s12 =	sor.u32 s2, s18;
	v10 =	vld.idx.msk [tilespmem:v14+s6+$0x0], $0xffff;
	v15 =	vand.u32 $0xFFFFFFFE, v15  }
0x46: {  	s21 =	simm.s32 $0x4;
	[tilespmem:s12+$0x6E40] =	vst v8;
	v14 =	vshll.u32 v25, $0x2;
	v25 =	vmov s13;
	v12 =	vld.idx.msk [tilespmem:v12+s6+$0x0], $0xffff;
	v15 =	vbroadcast v15, $0x0  }
0x47: {  	v8 =	vadd.s32 v0, v20;
	v20 =	vmov s21;
	v29 =	vld.idx.msk [tilespmem:v7+s6+$0x0], $0xffff  }
0x48: {  	v21 =	vadd.s32 v0, v21;
	v7 =	vand.u32 $0xFFFFFFFC, v20;
	v20 =	vld [tilespmem:s10+$0xFFFFFFF0]  }
0x49: {  	v28 =	vld [tilespmem:s10+$0x0];
	v23 =	vperm.xlane v9, v3;
	v24 =	vadd.s32 v0, v24;
	v11 =	vmul.f32 v11, v16  }
0x4a: {  	v30 =	vbroadcast v7, $0x0;
	v31 =	vshll.u32 v5, $0x2;
	v7 =	vmul.f32 v10, v19;
	v5 =	vld.idx.msk [tilespmem:v6+s22+$0x0], $0xffff  }
0x4b: {  	v26 =	vperm.xlane v14, v1;
	v10 =	vperm.xlane v31, v1;
	v6 =	vld.idx.msk [tilespmem:v25+s22+$0x0], $0xffff;
	[tilespmem:s11+$0x6E10] =	vst v11  }
0x4c: {  	v12 =	vmul.f32 v12, v18;
	v11 =	vadd.s32 v0, v23;
	[tilespmem:s7+$0x6E50] =	vst v7;
	v7 =	vld.idx.msk [tilespmem:v15+s22+$0x0], $0xffff  }
0x4d: {  	v20 =	vshll.u32 v20, $0x2;
	v25 =	vadd.s32 v0, v26;
	v10 =	vadd.s32 v0, v10;
	v21 =	vld.idx.msk [tilespmem:v21+s6+$0x0], $0xffff  }
0x4e: {  	v23 =	vshll.u32 v28, $0x2;
	v28 =	vmul.f32 v29, v17;
	[tilespmem:s14+$0x6E10] =	vst v12;
	v29 =	vperm.xlane v20, v1;
	v26 =	vld.idx.msk [tilespmem:v8+s6+$0x0], $0xffff  }
0x4f: {  	v9 =	vperm.xlane v9, v4;
	v15 =	vperm.xlane v23, v1;
	v24 =	vld.idx.msk [tilespmem:v24+s6+$0x0], $0xffff  }
0x50: {  	v32 =	vperm.xlane v14, v3;
	v8 =	vld.idx.msk [tilespmem:v30+s22+$0x0], $0xffff;
	[tilespmem:s12+$0x6E50] =	vst v28;
	v29 =	vadd.s32 v0, v29  }
0x51: {  	v33 =	vperm.xlane v31, v3;
	v34 =	vperm.xlane v20, v2;
	v15 =	vadd.s32 v0, v15;
	v35 =	vld.idx.msk [tilespmem:v11+s6+$0x0], $0xffff  }
0x52: {  	v12 =	vperm.xlane v31, v2;
	v30 =	vadd.s32 v0, v13;
	v36 =	vperm.xlane v23, v3;
	v37 =	vld.idx.msk [tilespmem:v10+s6+$0x0], $0xffff  }
0x53: {  	s2 =	simm.s32 $0x8A0;
	v22 =	vadd.s32 v0, v22;
	v28 =	vperm.xlane v23, v2;
	v10 =	vperm.xlane v23, v4;
	v23 =	vld.idx.msk [tilespmem:v25+s6+$0x0], $0xffff  }
0x54: {  	v13 =	vperm.xlane v20, v3;
	v11 =	vmul.f32 v26, v19;
	v26 =	vld [tilespmem:s2+$0x10]  }
0x55: {  	v25 =	vadd.s32 v0, v27;
	v27 =	vadd.s32 v0, v9;
	v21 =	vmul.f32 v21, v16;
	v29 =	vld.idx.msk [tilespmem:v29+s6+$0x0], $0xffff  }
0x56: {  	v9 =	vperm.xlane v31, v4;
	v31 =	vadd.s32 v0, v12;
	v38 =	vld.idx.msk [tilespmem:v15+s6+$0x0], $0xffff;
	[tilespmem:s7+$0x6E60] =	vst v11  }
0x57: {  	s23 =	simm.s32 $0x2000;
	s25 =	simm.s32 $0x9;
	s29 =	simm.s32 $0x8;
	v24 =	vmul.f32 v24, v18;
	v15 =	vperm.xlane v14, v2;
	[tilespmem:s11+$0x6E20] =	vst v21;
	v30 =	vld.idx.msk [tilespmem:v30+s6+$0x0], $0xffff  }
0x58: {  	s28 =	sand.u32 $0x380, s29;
	s0 =	sand.u32 $0x1E000, s23;
	v11 =	vperm.xlane v20, v4;
	v62 =	vld.idx.msk [tilespmem:v22+s6+$0x0], $0xffff;
	v22 =	vmov s25;
	v20 =	vmul.f32 v35, v17  }
0x59: {  	s1 =	sshrl.u32 s0, $0x2;
	s0 =	simm.s32 $0xE00;
	s21 =	simm.s32 $0x3000;
	[tilespmem:s14+$0x6E20] =	vst v24;
	v39 =	vadd.s32 v0, v15;
	v15 =	vperm.xlane v14, v4;
	v14 =	vmul.f32 v37, v8  }
0x5a: {  	s23 =	sor.u32 s28, s1;
	s4 =	sand.u32 $0x7C00, s0;
	s5 =	sand.u32 $0x1F000, s21;
	v61 =	vld.idx.msk [tilespmem:v25+s6+$0x0], $0xffff;
	v21 =	vmul.f32 v23, v6;
	v22 =	vand.u32 $0xFFFFFFFD, v22;
	[tilespmem:s12+$0x6E60] =	vst v20  }
0x5b: {  	s15 =	simm.s32 $0x800;
	s10 =	sor.u32 s28, s4;
	s8 =	sshrl.u32 s5, $0x2;
	v12 =	vshll.u32 v26, $0x2;
	v26 =	vadd.s32 v0, v28;
	[tilespmem:s23+$0x6E00] =	vst v14;
	v40 =	vld.idx.msk [tilespmem:v27+s6+$0x0], $0xffff;
	v28 =	vmul.f32 v38, v7  }
0x5c: {  	s15 =	sand.u32 $0x7800, s15;
	v34 =	vadd.s32 v0, v34;
	s25 =	sor.u32 s28, s8;
	v25 =	vbroadcast v22, $0x0;
	[tilespmem:s10+$0x6E40] =	vst v21;
	v24 =	vld.idx.msk [tilespmem:v31+s6+$0x0], $0xffff;
	v31 =	vmul.f32 v29, v5  }
0x5d: {  	s20 =	simm.s32 $0xA;
	s8 =	sor.u32 s28, s15;
	v20 =	vperm.xlane v12, v1;
	v27 =	vld [tilespmem:s2+$0xFFFFFFE0];
	v30 =	vmul.f32 v30, v19;
	[tilespmem:s25+$0x6E00] =	vst v28  }
0x5e: {  	s16 =	simm.s32 $0xB;
	v63 =	vmov s20;
	s28 =	simm.s32 $0x8;
	v14 =	vperm.xlane v12, v3;
	v21 =	vadd.s32 v0, v32;
	v23 =	vld.idx.msk [tilespmem:v39+s6+$0x0], $0xffff;
	[tilespmem:s8+$0x6E40] =	vst v31  }
0x5f: {  	s18 =	smul.u32 $0x3, s17;
	v32 =	vmov s28;
	v29 =	vld [tilespmem:s2+$0x0];
	v28 =	vmov s16;
	v35 =	vmul.f32 v61, v18;
	[tilespmem:s7+$0x6E70] =	vst v30  }
0x60: {  	v18 =	vand.u32 $0xFFFFFFFE, v63;
	v31 =	vmul.f32 v62, v16;
	v22 =	vld.idx.msk [tilespmem:v26+s6+$0x0], $0xffff;
	v26 =	vadd.s32 v0, v33;
	s1 =	rddreg [dreg:$0x5]  }
0x61: {  	v19 =	vadd.s32 v0, v36;
	s7 =	simm.s32 $0xC;
	v30 =	vbroadcast v18, $0x0;
	v18 =	vld.idx.msk [tilespmem:v34+s6+$0x0], $0xffff;
	[tilespmem:s14+$0x6E30] =	vst v35;
	s13 =	sadd.s32 s1, s18;
	v17 =	vmul.f32 v40, v17  }
.LBB2_3:
0x62: {  	p1 =	slt.u32 s7, $0x1FC;
	v16 =	vand.u32 $0xFFFFFFFC, v32;
	v32 =	vld [tilespmem:s2+$0xFFFFFFF0];
	v24 =	vmul.f32 v24, v8;
	v33 =	vadd.s32 v0, v13;
	[tilespmem:s11+$0x6E30] =	vst v31;
	s14 =	smov.u32 s7;
	s7 =	sadd.s32 $0x4, s7  }
0x63: {  	v23 =	vmul.f32 v23, v6;
	s11 =	smov.u32 s23;
	s15 =	sadd.s32 $0x1, s14;
	v13 =	vbroadcast v16, $0x0;
	v27 =	vshll.u32 v27, $0x2;
	v16 =	vld.idx.msk [tilespmem:v25+s22+$0x0], $0xffff;
	[tilespmem:s12+$0x6E70] =	vst v17;
	s12 =	smov.u32 s8  }
0x64: {  	v17 =	vmov s15;
	v25 =	vperm.xlane v27, v1;
	v31 =	vperm.xlane v27, v2;
	v28 =	vld.idx.msk [tilespmem:v28+s22+$0x0], $0xffff;
	[tilespmem:s11+$0x6E10] =	vst v24  }
0x65: {  	v34 =	vperm.xlane v27, v3;
	v22 =	vmul.f32 v22, v7;
	v24 =	vld.idx.msk [tilespmem:v26+s6+$0x0], $0xffff;
	[tilespmem:s10+$0x6E50] =	vst v23  }
0x66: {  	v20 =	vadd.s32 v0, v20;
	v23 =	vadd.s32 v0, v25;
	v25 =	vshll.u32 v29, $0x2;
	v21 =	vld.idx.msk [tilespmem:v21+s6+$0x0], $0xffff  }
0x67: {  	v18 =	vmul.f32 v18, v5;
	v26 =	vshll.u32 v32, $0x2;
	v29 =	vld.idx.msk [tilespmem:v30+s22+$0x0], $0xffff;
	v30 =	vperm.xlane v25, v1;
	[tilespmem:s25+$0x6E10] =	vst v22  }
0x68: {  	v35 =	vadd.s32 v0, v15;
	v32 =	vperm.xlane v25, v2;
	v22 =	vperm.xlane v26, v1;
	v19 =	vld.idx.msk [tilespmem:v19+s6+$0x0], $0xffff  }
0x69: {  	v37 =	vperm.xlane v26, v2;
	v36 =	vld.idx.msk [tilespmem:v13+s22+$0x0], $0xffff;
	v15 =	vadd.s32 v0, v30;
	[tilespmem:s12+$0x6E50] =	vst v18  }
0x6a: {  	v13 =	vperm.xlane v26, v3;
	v18 =	vadd.s32 v0, v22;
	v22 =	vperm.xlane v25, v3;
	v30 =	vld.idx.msk [tilespmem:v33+s6+$0x0], $0xffff  }
0x6b: {  	v25 =	vperm.xlane v25, v4;
	v24 =	vmul.f32 v24, v8;
	v23 =	vld.idx.msk [tilespmem:v23+s6+$0x0], $0xffff  }
0x6c: {  	s2 =	sadd.s32 $0x40, s2;
	v26 =	vperm.xlane v26, v4;
	v33 =	vadd.s32 v0, v10;
	v40 =	vmul.f32 v21, v6;
	v20 =	vld.idx.msk [tilespmem:v20+s6+$0x0], $0xffff  }
0x6d: {  	v21 =	vld [tilespmem:s2+$0x10];
	[tilespmem:s11+$0x6E20] =	vst v24;
	v24 =	vadd.s32 v0, v9;
	v9 =	vperm.xlane v27, v4;
	v27 =	vadd.s32 v0, v11  }
0x6e: {  	v39 =	vperm.xlane v12, v2;
	s21 =	sadd.s32 $0x2000, s21;
	v10 =	vmov v25;
	v19 =	vmul.f32 v19, v7;
	v38 =	vld.idx.msk [tilespmem:v15+s6+$0x0], $0xffff;
	[tilespmem:s10+$0x6E60] =	vst v40  }
0x6f: {  	s8 =	sadd.s32 $0xFFFFF000, s21;
	v25 =	vadd.s32 v0, v31;
	v11 =	vmov v26;
	v15 =	vperm.xlane v12, v4;
	v31 =	vld.idx.msk [tilespmem:v35+s6+$0x0], $0xffff  }
0x70: {  	s29 =	sadd.s32 $0x8, s29;
	s8 =	sand.u32 $0x1E000, s8;
	v26 =	vadd.s32 v0, v39;
	v30 =	vmul.f32 v30, v5;
	v18 =	vld.idx.msk [tilespmem:v18+s6+$0x0], $0xffff;
	[tilespmem:s25+$0x6E20] =	vst v19  }
0x71: {  	s0 =	sadd.s32 $0x800, s0;
	s15 =	sand.u32 $0x380, s29;
	s8 =	sshrl.u32 s8, $0x2;
	v19 =	vmul.f32 v23, v36;
	v33 =	vld.idx.msk [tilespmem:v33+s6+$0x0], $0xffff  }
0x72: {  	s23 =	sor.u32 s15, s8;
	s8 =	sand.u32 $0x7C00, s0;
	v32 =	vadd.s32 v0, v32;
	v12 =	vshll.u32 v21, $0x2;
	v21 =	vmul.f32 v20, v28;
	v35 =	vld.idx.msk [tilespmem:v24+s6+$0x0], $0xffff;
	[tilespmem:s12+$0x6E60] =	vst v30  }
0x73: {  	s16 =	sand.u32 $0x1F000, s21;
	s28 =	sor.u32 s15, s8;
	v37 =	vadd.s32 v0, v37;
	v20 =	vperm.xlane v12, v1;
	[tilespmem:s23+$0x6E00] =	vst v19;
	v39 =	vld.idx.msk [tilespmem:v27+s6+$0x0], $0xffff  }
0x74: {  	s16 =	sshrl.u32 s16, $0x2;
	v17 =	vand.u32 $0xFFFFFFFD, v17;
	s8 =	sadd.s32 $0xFFFFFA00, s0;
	v30 =	vperm.xlane v12, v3;
	v19 =	vmul.f32 v38, v29;
	v24 =	vld.idx.msk [tilespmem:v25+s6+$0x0], $0xffff;
	[tilespmem:s28+$0x6E40] =	vst v21  }
.Ltmp0:
0x75: {  	s16 =	sor.u32 s15, s16;
	s8 =	sand.u32 $0x7800, s8;
	v25 =	vbroadcast v17, $0x0;
	v17 =	vmul.f32 v31, v6;
	v6 =	vmov v28;
	v23 =	vld.idx.msk [tilespmem:v26+s6+$0x0], $0xffff;
	(pc) =	sbr.rel @p1 .LBB2_3-.Ltmp0, $4  }
0x76: {  	s1 =	sadd.s32 $0x2, s14;
	s4 =	sadd.s32 $0x3, s14;
	s8 =	sor.u32 s15, s8;
	v21 =	vadd.s32 v0, v14;
	v18 =	vmul.f32 v18, v16;
	v27 =	vld [tilespmem:s2+$0xFFFFFFE0];
	[tilespmem:s16+$0x6E00] =	vst v19;
	v19 =	vadd.s32 v0, v22  }
0x77: {  	v28 =	vmov s4;
	v26 =	vmov s1;
	v14 =	vmovc v30;
	v33 =	vmul.f32 v33, v7;
	v7 =	vmovc v29;
	v22 =	vld.idx.msk [tilespmem:v32+s6+$0x0], $0xffff;
	[tilespmem:s10+$0x6E70] =	vst v17;
	s10 =	smov.u32 s28  }
0x78: {  	v17 =	vand.u32 $0xFFFFFFFE, v26;
	v26 =	vadd.s32 v0, v34;
	v31 =	vmul.f32 v35, v8;
	v8 =	vmovc v36;
	v29 =	vld [tilespmem:s2+$0x0];
	[tilespmem:s8+$0x6E40] =	vst v18  }
0x79: {  	v32 =	vmov s14;
	v30 =	vbroadcast v17, $0x0;
	v17 =	vmul.f32 v39, v5;
	v5 =	vmovc v16;
	v18 =	vld.idx.msk [tilespmem:v37+s6+$0x0], $0xffff;
	[tilespmem:s25+$0x6E30] =	vst v33;
	s25 =	smov.u32 s16  }
0x7a: {  	v16 =	vld [tilespmem:s2+$0xFFFFFFF0];
	_ =	sdelay $0x2  }
0x7b: {  	v32 =	vand.u32 $0xFFFFFFFC, v32;
	v20 =	vadd.s32 v0, v20;
	v29 =	vshll.u32 v29, $0x2  }
0x7c: {  	v32 =	vbroadcast v32, $0x0;
	v27 =	vshll.u32 v27, $0x2;
	v33 =	vperm.xlane v29, v1  }
0x7d: {  	v34 =	vperm.xlane v27, v1;
	v35 =	vshll.u32 v16, $0x2  }
0x7e: {  	v16 =	vld.idx.msk [tilespmem:v25+s22+$0x0], $0xffff;
	v25 =	vperm.xlane v35, v1;
	v33 =	vadd.s32 v0, v33  }
0x7f: {  	v28 =	vld.idx.msk [tilespmem:v28+s22+$0x0], $0xffff;
	v34 =	vadd.s32 v0, v34  }
0x80: {  	v30 =	vld.idx.msk [tilespmem:v30+s22+$0x0], $0xffff;
	v25 =	vadd.s32 v0, v25  }
0x81: {  	v20 =	vld.idx.msk [tilespmem:v20+s6+$0x0], $0xffff  }
0x82: {  	v32 =	vld.idx.msk [tilespmem:v32+s22+$0x0], $0xffff  }
0x83: {  	v36 =	vperm.xlane v12, v2;
	v33 =	vld.idx.msk [tilespmem:v33+s6+$0x0], $0xffff  }
0x84: {  	v24 =	vmul.f32 v24, v8;
	v37 =	vperm.xlane v29, v2;
	v34 =	vld.idx.msk [tilespmem:v34+s6+$0x0], $0xffff  }
0x85: {  	[tilespmem:s11+$0x6E30] =	vst v31;
	s1 =	sadd.s32 $0x2000, s21;
	v31 =	vperm.xlane v27, v2;
	v36 =	vadd.s32 v0, v36;
	v25 =	vld.idx.msk [tilespmem:v25+s6+$0x0], $0xffff  }
0x86: {  	v23 =	vmul.f32 v23, v6;
	s4 =	sadd.s32 $0x8, s29;
	s7 =	sadd.s32 $0x800, s0;
	[tilespmem:s12+$0x6E70] =	vst v17;
	s15 =	sadd.s32 $0xFFFFF000, s1;
	v17 =	vperm.xlane v35, v2;
	v37 =	vadd.s32 v0, v37  }
0x87: {  	s4 =	sand.u32 $0x380, s4;
	s0 =	sand.u32 $0x7C00, s7;
	s1 =	sand.u32 $0x1F000, s1;
	[tilespmem:s23+$0x6E10] =	vst v24;
	v24 =	vadd.s32 v0, v31;
	v20 =	vmul.f32 v20, v28  }
0x88: {  	[tilespmem:s10+$0x6E50] =	vst v23;
	s2 =	sand.u32 $0x1E000, s15;
	s0 =	sor.u32 s4, s0;
	s1 =	sshrl.u32 s1, $0x2;
	v26 =	vld.idx.msk [tilespmem:v26+s6+$0x0], $0xffff;
	v17 =	vadd.s32 v0, v17;
	v23 =	vmul.f32 v33, v30  }
0x89: {  	s16 =	sadd.s32 $0xFFFFFA00, s7;
	v21 =	vld.idx.msk [tilespmem:v21+s6+$0x0], $0xffff;
	s2 =	sshrl.u32 s2, $0x2;
	s20 =	sor.u32 s4, s1;
	[tilespmem:s0+$0x6E40] =	vst v20;
	v31 =	vmul.f32 v34, v32  }
0x8a: {  	v13 =	vadd.s32 v0, v13;
	s21 =	sand.u32 $0x7800, s16;
	s2 =	sor.u32 s4, s2;
	v20 =	vld.idx.msk [tilespmem:v36+s6+$0x0], $0xffff;
	v25 =	vmul.f32 v25, v16;
	[tilespmem:s20+$0x6E00] =	vst v23  }
0x8b: {  	v14 =	vadd.s32 v0, v14;
	v22 =	vmul.f32 v22, v7;
	s11 =	sor.u32 s4, s21;
	[tilespmem:s2+$0x6E00] =	vst v31;
	v23 =	vld.idx.msk [tilespmem:v37+s6+$0x0], $0xffff  }
0x8c: {  	v15 =	vadd.s32 v0, v15;
	v53 =	vperm.xlane v29, v3;
	v24 =	vld.idx.msk [tilespmem:v24+s6+$0x0], $0xffff;
	[tilespmem:s11+$0x6E40] =	vst v25  }
0x8d: {  	v18 =	vmul.f32 v18, v5;
	[tilespmem:s25+$0x6E10] =	vst v22;
	v31 =	vperm.xlane v27, v3;
	v17 =	vld.idx.msk [tilespmem:v17+s6+$0x0], $0xffff  }
0x8e: {  	v10 =	vadd.s32 v0, v10;
	v19 =	vld.idx.msk [tilespmem:v19+s6+$0x0], $0xffff;
	v22 =	vperm.xlane v35, v3;
	v25 =	vadd.s32 v0, v53  }
0x8f: {  	[tilespmem:s8+$0x6E50] =	vst v18;
	v18 =	vperm.xlane v29, v4;
	v29 =	vadd.s32 v0, v31;
	v20 =	vmul.f32 v20, v28  }
0x90: {  	v9 =	vadd.s32 v0, v9;
	v22 =	vadd.s32 v0, v22;
	v23 =	vmul.f32 v23, v30  }
0x91: {  	v12 =	vperm.xlane v12, v4;
	v13 =	vld.idx.msk [tilespmem:v13+s6+$0x0], $0xffff;
	[tilespmem:s0+$0x6E50] =	vst v20;
	v24 =	vmul.f32 v24, v32  }
0x92: {  	v11 =	vadd.s32 v0, v11;
	v14 =	vld.idx.msk [tilespmem:v14+s6+$0x0], $0xffff;
	v17 =	vmul.f32 v17, v16;
	[tilespmem:s20+$0x6E10] =	vst v23  }
0x93: {  	v12 =	vadd.s32 v0, v12;
	v20 =	vmul.f32 v21, v6;
	[tilespmem:s2+$0x6E10] =	vst v24;
	v21 =	vld.idx.msk [tilespmem:v25+s6+$0x0], $0xffff  }
0x94: {  	v26 =	vmul.f32 v26, v8;
	v19 =	vmul.f32 v19, v7;
	v23 =	vld.idx.msk [tilespmem:v29+s6+$0x0], $0xffff;
	[tilespmem:s11+$0x6E50] =	vst v17  }
0x95: {  	v18 =	vadd.s32 v0, v18;
	[tilespmem:s10+$0x6E60] =	vst v20;
	v17 =	vperm.xlane v27, v4;
	v20 =	vld.idx.msk [tilespmem:v22+s6+$0x0], $0xffff  }
0x96: {  	v13 =	vmul.f32 v13, v5;
	[tilespmem:s25+$0x6E20] =	vst v19;
	v31 =	vperm.xlane v35, v4;
	v15 =	vld.idx.msk [tilespmem:v15+s6+$0x0], $0xffff  }
0x97: {  	[tilespmem:s23+$0x6E20] =	vst v26;
	v10 =	vld.idx.msk [tilespmem:v10+s6+$0x0], $0xffff;
	v14 =	vmul.f32 v14, v28;
	v17 =	vadd.s32 v0, v17  }
0x98: {  	v9 =	vld.idx.msk [tilespmem:v9+s6+$0x0], $0xffff;
	[tilespmem:s8+$0x6E60] =	vst v13;
	v13 =	vadd.s32 v0, v31;
	v19 =	vmul.f32 v21, v30  }
0x99: {  	v11 =	vld.idx.msk [tilespmem:v11+s6+$0x0], $0xffff;
	[tilespmem:s0+$0x6E60] =	vst v14;
	v21 =	vmul.f32 v23, v32  }
0x9a: {  	v12 =	vld.idx.msk [tilespmem:v12+s6+$0x0], $0xffff;
	v14 =	vmul.f32 v20, v16;
	[tilespmem:s20+$0x6E20] =	vst v19  }
0x9b: {  	v6 =	vmul.f32 v15, v6;
	[tilespmem:s2+$0x6E20] =	vst v21;
	v15 =	vld.idx.msk [tilespmem:v18+s6+$0x0], $0xffff  }
0x9c: {  	v7 =	vmul.f32 v10, v7;
	v10 =	vld.idx.msk [tilespmem:v17+s6+$0x0], $0xffff;
	[tilespmem:s11+$0x6E60] =	vst v14  }
0x9d: {  	[tilespmem:s10+$0x6E70] =	vst v6;
	v6 =	vmul.f32 v9, v8;
	v8 =	vld.idx.msk [tilespmem:v13+s6+$0x0], $0xffff  }
0x9e: {  	v5 =	vmul.f32 v11, v5;
	[tilespmem:s25+$0x6E30] =	vst v7  }
0x9f: {  	[tilespmem:s23+$0x6E30] =	vst v6;
	v6 =	vmul.f32 v12, v28  }
0xa0: {  	[tilespmem:s8+$0x6E70] =	vst v5;
	v5 =	vmul.f32 v15, v30  }
0xa1: {  	[tilespmem:s0+$0x6E70] =	vst v6;
	v6 =	vmul.f32 v10, v32  }
0xa2: {  	v7 =	vmul.f32 v8, v16;
	[tilespmem:s20+$0x6E30] =	vst v5  }
0xa3: {  	s5 =	rddreg [dreg:$0x3];
	s4 =	sshll.u32 s13, $0xC;
	[tilespmem:s2+$0x6E30] =	vst v6  }
0xa4: {  	s7 =	simm.s32 $0x6E00;
	s0 =	sadd.s32 s5, s4;
	[tilespmem:s11+$0x6E70] =	vst v7  }
0xa5: {  	[hbm4b:s0+s6] =	stream.linear.scatter [tilespmem:s7], [sflag:$0x4], $0x8000, $0x38;
	[tilespmem:$0x1EE00] =	vst v63  }
0xa6: {  	s8 =	rddreg [dreg:$0xb]  }
0xa7: {  	s25 =	sadd.s32 s18, s8  }
0xa8: {  	s0 =	sshll.u32 s25, $0xE  }
0xa9: {  	s0 =	sand.u32 $0x3FC000, s0  }
0xaa: {  	s0 =	sor.u32 s9, s0  }
0xab: {  	s12 =	simm.s32 $0x4800;
	s10 =	simm.s32 $0x80;
	s0 =	sshrl.u32 s0, $0x3  }
0xac: {  	s11 =	simm.s32 $0x100;
	s13 =	sshll.u32 s25, $0x6;
	s0 =	sadd.s32 s19, s0  }
0xad: {  	[tilespmem:s12], [sflag:$0x3] =	stream.strided.gather [hbm4b:s0+s10], $0x2000, s11, s10, $0x38;
	[tilespmem:$0x1EE00] =	vst v63  }
0xae: {  	s14 =	rddreg [dreg:$0x2];
	s0 =	sand.u32 $0x1FFFFFC0, s13  }
0xaf: {  	s0 =	sadd.s32 s14, s0  }
0xb0: {  	[tilespmem:s30], [sflag:$0x3] =	stream.linear.gather [hbm4b:s0+s6], $0x200, $0x38;
	[tilespmem:$0x1EE00] =	vst v63  }
0xb1: {  	_ =	swait.ge [sflag:s31], $0x2000  }
0xb2: {  	[sflag:s31] =	ssyncset.done $0x0  }
0xb3: {  	[sflag:s31] =	ssyncadd.s32 $0xFFFFE000  }
0xb4: {  	_ =	swait.ge [sflag:s31], $0x200  }
0xb5: {  	[sflag:s31] =	ssyncset.done $0x0  }
0xb6: {  	s0 =	simm.s32 @!p0 $0x5;
	[sflag:s31] =	ssyncadd.s32 $0xFFFFFE00  }
0xb7: {  	_ =	swait.ge @!p0 [sflag:s0], $0x8000  }
0xb8: {  	[sflag:s0] =	ssyncset.done @!p0 $0x0  }
0xb9: {  	s15 =	simm.s32 $0x2820;
	[sflag:s0] =	ssyncadd.s32 @!p0 $0xFFFF8000  }
0xba: {  	v5 =	vld [tilespmem:s15+$0x10]  }
0xbb: {  	v6 =	vld [tilespmem:s15+$0xFFFFFFE0]  }
0xbc: {  	s23 =	simm.s32 $0x2  }
0xbd: {  	v14 =	vmov s23;
	v7 =	vld [tilespmem:s15+$0x0]  }
0xbe: {  	s16 =	simm.s32 $0x0;
	v14 =	vand.u32 $0xFFFFFFFE, v14;
	s20 =	smov.u32 s19;
	s19 =	simm.s32 $0x3  }
0xbf: {  	v14 =	vbroadcast v14, $0x0;
	v8 =	vmov s16;
	v10 =	vmov s19  }
0xc0: {  	v9 =	vshll.u32 v5, $0x2;
	v5 =	vand.u32 $0xFFFFFFFC, v8;
	v8 =	vld [tilespmem:s15+$0xFFFFFFF0];
	v6 =	vshll.u32 v6, $0x2  }
0xc1: {  	v5 =	vbroadcast v5, $0x0;
	v11 =	vperm.xlane v6, v1  }
0xc2: {  	v7 =	vshll.u32 v7, $0x2;
	v13 =	vperm.xlane v9, v1  }
0xc3: {  	v16 =	vperm.xlane v7, v1;
	v11 =	vadd.s32 v0, v11  }
0xc4: {  	s21 =	simm.s32 $0x1;
	v13 =	vadd.s32 v0, v13  }
0xc5: {  	v12 =	vmov s21;
	v15 =	vld.idx.msk [tilespmem:v10+s24+$0x0], $0xffff;
	v17 =	vadd.s32 v0, v16;
	v8 =	vshll.u32 v8, $0x2  }
0xc6: {  	v12 =	vand.u32 $0xFFFFFFFD, v12;
	v18 =	vld.idx.msk [tilespmem:v14+s24+$0x0], $0xffff;
	v10 =	vperm.xlane v8, v1  }
0xc7: {  	v12 =	vbroadcast v12, $0x0;
	v16 =	vld.idx.msk [tilespmem:v5+s24+$0x0], $0xffff  }
0xc8: {  	v5 =	vadd.s32 v0, v10;
	v10 =	vld.idx.msk [tilespmem:v11+s6+$0x0], $0xffff  }
0xc9: {  	v11 =	vperm.xlane v6, v2;
	v13 =	vld.idx.msk [tilespmem:v13+s6+$0x0], $0xffff  }
0xca: {  	v14 =	vperm.xlane v9, v2;
	v19 =	vld.idx.msk [tilespmem:v17+s6+$0x0], $0xffff  }
0xcb: {  	s1 =	sand.u32 $0x380, s16;
	s5 =	simm.s32 $0x0;
	v11 =	vadd.s32 v0, v11  }
0xcc: {  	s7 =	simm.s32 $0x600;
	s8 =	simm.s32 $0x1000;
	s0 =	sand.u32 $0x1E000, s5;
	v21 =	vperm.xlane v6, v3;
	v14 =	vadd.s32 v0, v14  }
0xcd: {  	s12 =	simm.s32 $0x5;
	s10 =	simm.s32 $0x2860;
	s0 =	sshrl.u32 s0, $0x2;
	v17 =	vld.idx.msk [tilespmem:v12+s24+$0x0], $0xffff;
	v12 =	vperm.xlane v7, v2;
	v10 =	vmul.f32 v10, v16  }
0xce: {  	s13 =	sand.u32 $0x7C00, s7;
	v23 =	vmov s12;
	s14 =	sand.u32 $0x1F000, s8;
	s11 =	sor.u32 s1, s0;
	v22 =	vperm.xlane v8, v2;
	v5 =	vld.idx.msk [tilespmem:v5+s6+$0x0], $0xffff;
	v13 =	vmul.f32 v13, v15  }
0xcf: {  	s8 =	sor.u32 s1, s13;
	v26 =	vld [tilespmem:s10+$0x10];
	s15 =	sshrl.u32 s14, $0x2;
	v25 =	vperm.xlane v7, v3;
	v12 =	vadd.s32 v0, v12;
	v19 =	vmul.f32 v19, v18;
	[tilespmem:s11+$0xEE00] =	vst v10  }
0xd0: {  	s21 =	simm.s32 $0x6;
	s7 =	sor.u32 s1, s15;
	v24 =	vperm.xlane v8, v3;
	v10 =	vadd.s32 v0, v22;
	v22 =	vand.u32 $0xFFFFFFFD, v23;
	[tilespmem:s8+$0xEE40] =	vst v13;
	v11 =	vld.idx.msk [tilespmem:v11+s6+$0x0], $0xffff  }
0xd1: {  	s23 =	simm.s32 $0x7;
	v23 =	vperm.xlane v7, v4;
	[tilespmem:s7+$0xEE00] =	vst v19;
	v19 =	vperm.xlane v6, v4;
	v6 =	vmov s21;
	v13 =	vld.idx.msk [tilespmem:v14+s6+$0x0], $0xffff  }
0xd2: {  	s16 =	simm.s32 $0x0;
	v7 =	vbroadcast v22, $0x0;
	v14 =	vperm.xlane v8, v4;
	v8 =	vld [tilespmem:s10+$0xFFFFFFE0];
	v22 =	vmov s23  }
0xd3: {  	s19 =	sand.u32 $0x7800, s16;
	v27 =	vld [tilespmem:s10+$0x0];
	v6 =	vand.u32 $0xFFFFFFFE, v6;
	v5 =	vmul.f32 v5, v17  }
0xd4: {  	s12 =	sor.u32 s1, s19;
	s5 =	simm.s32 $0x4;
	v20 =	vperm.xlane v9, v3;
	v21 =	vadd.s32 v0, v21;
	v12 =	vld.idx.msk [tilespmem:v12+s6+$0x0], $0xffff;
	v28 =	vbroadcast v6, $0x0  }
0xd5: {  	v29 =	vld [tilespmem:s10+$0xFFFFFFF0];
	[tilespmem:s12+$0xEE40] =	vst v5;
	v5 =	vmov s5  }
0xd6: {  	v20 =	vadd.s32 v0, v20;
	v10 =	vld.idx.msk [tilespmem:v10+s6+$0x0], $0xffff;
	v5 =	vand.u32 $0xFFFFFFFC, v5;
	v11 =	vmul.f32 v11, v16  }
0xd7: {  	v25 =	vadd.s32 v0, v25;
	v31 =	vshll.u32 v8, $0x2;
	v6 =	vld.idx.msk [tilespmem:v22+s24+$0x0], $0xffff;
	v30 =	vbroadcast v5, $0x0  }
0xd8: {  	v5 =	vld.idx.msk [tilespmem:v7+s24+$0x0], $0xffff;
	v7 =	vmul.f32 v13, v15;
	v13 =	vperm.xlane v31, v1;
	[tilespmem:s11+$0xEE10] =	vst v11  }
0xd9: {  	v26 =	vshll.u32 v26, $0x2;
	v12 =	vmul.f32 v12, v18;
	v11 =	vadd.s32 v0, v24;
	v21 =	vld.idx.msk [tilespmem:v21+s6+$0x0], $0xffff  }
0xda: {  	v8 =	vperm.xlane v26, v1;
	v24 =	vshll.u32 v27, $0x2;
	[tilespmem:s8+$0xEE50] =	vst v7;
	v13 =	vadd.s32 v0, v13;
	v7 =	vld.idx.msk [tilespmem:v28+s24+$0x0], $0xffff  }
0xdb: {  	[tilespmem:s7+$0xEE10] =	vst v12;
	v28 =	vshll.u32 v29, $0x2;
	v29 =	vperm.xlane v24, v1;
	v20 =	vld.idx.msk [tilespmem:v20+s6+$0x0], $0xffff;
	v10 =	vmul.f32 v10, v17  }
0xdc: {  	v9 =	vperm.xlane v9, v4;
	v27 =	vadd.s32 v0, v8;
	v25 =	vld.idx.msk [tilespmem:v25+s6+$0x0], $0xffff  }
0xdd: {  	v29 =	vadd.s32 v0, v29;
	v8 =	vld.idx.msk [tilespmem:v30+s24+$0x0], $0xffff;
	[tilespmem:s12+$0xEE50] =	vst v10  }
0xde: {  	v9 =	vadd.s32 v0, v9;
	v12 =	vperm.xlane v31, v2;
	v54 =	vperm.xlane v28, v1;
	v56 =	vld.idx.msk [tilespmem:v11+s6+$0x0], $0xffff  }
0xdf: {  	s21 =	simm.s32 $0x28A0;
	v23 =	vadd.s32 v0, v23;
	v55 =	vperm.xlane v24, v2;
	v59 =	vperm.xlane v24, v3;
	v58 =	vld.idx.msk [tilespmem:v13+s6+$0x0], $0xffff  }
0xe0: {  	v32 =	vadd.s32 v0, v54;
	v11 =	vperm.xlane v24, v4;
	v24 =	vld [tilespmem:s21+$0x10];
	v10 =	vmul.f32 v20, v15  }
0xe1: {  	v19 =	vadd.s32 v0, v19;
	v57 =	vperm.xlane v28, v2;
	v13 =	vperm.xlane v28, v3;
	v20 =	vld.idx.msk [tilespmem:v27+s6+$0x0], $0xffff  }
0xe2: {  	v25 =	vmul.f32 v25, v18;
	[tilespmem:s8+$0xEE60] =	vst v10;
	v10 =	vperm.xlane v28, v4;
	v28 =	vld.idx.msk [tilespmem:v29+s6+$0x0], $0xffff  }
0xe3: {  	v22 =	vperm.xlane v26, v3;
	v21 =	vmul.f32 v21, v16;
	v27 =	vadd.s32 v0, v14;
	v38 =	vld.idx.msk [tilespmem:v9+s6+$0x0], $0xffff  }
0xe4: {  	s28 =	simm.s32 $0x3000;
	s13 =	simm.s32 $0x2000;
	v30 =	vperm.xlane v31, v3;
	v14 =	vperm.xlane v26, v2;
	[tilespmem:s7+$0xEE20] =	vst v25;
	v29 =	vadd.s32 v0, v12  }
0xe5: {  	s2 =	simm.s32 $0xE00;
	s0 =	simm.s32 $0x8;
	s14 =	sand.u32 $0x1E000, s13;
	[tilespmem:s11+$0xEE20] =	vst v21;
	v9 =	vperm.xlane v31, v4;
	v31 =	vld.idx.msk [tilespmem:v32+s6+$0x0], $0xffff;
	v34 =	vmul.f32 v56, v17  }
0xe6: {  	s16 =	simm.s32 $0x9;
	s4 =	sand.u32 $0x380, s0;
	s1 =	sshrl.u32 s14, $0x2;
	v60 =	vadd.s32 v0, v14;
	v14 =	vperm.xlane v26, v4;
	v26 =	vld.idx.msk [tilespmem:v23+s6+$0x0], $0xffff;
	v21 =	vmul.f32 v58, v8  }
0xe7: {  	s15 =	sand.u32 $0x7C00, s2;
	s14 =	sand.u32 $0x1F000, s28;
	s29 =	sor.u32 s4, s1;
	v33 =	vadd.s32 v0, v55;
	v61 =	vld.idx.msk [tilespmem:v19+s6+$0x0], $0xffff;
	v12 =	vshll.u32 v24, $0x2;
	v24 =	vmul.f32 v20, v6;
	[tilespmem:s12+$0xEE60] =	vst v34  }
0xe8: {  	s19 =	sshrl.u32 s14, $0x2;
	s10 =	sor.u32 s4, s15;
	[tilespmem:s29+$0xEE00] =	vst v21;
	v34 =	vld.idx.msk [tilespmem:v27+s6+$0x0], $0xffff;
	v21 =	vmul.f32 v28, v7;
	v19 =	vmul.f32 v38, v15;
	v15 =	vmov s16  }
0xe9: {  	s13 =	sor.u32 s4, s19;
	s23 =	simm.s32 $0xA;
	s5 =	simm.s32 $0x800;
	v35 =	vadd.s32 v0, v57;
	v23 =	vld.idx.msk [tilespmem:v29+s6+$0x0], $0xffff;
	[tilespmem:s10+$0xEE40] =	vst v24;
	v25 =	vand.u32 $0xFFFFFFFD, v15  }
0xea: {  	s19 =	simm.s32 $0x8;
	v62 =	vmov s23;
	v28 =	vld [tilespmem:s21+$0xFFFFFFE0];
	s16 =	sand.u32 $0x7800, s5;
	v31 =	vmul.f32 v31, v5;
	[tilespmem:s13+$0xEE00] =	vst v21;
	v25 =	vbroadcast v25, $0x0  }
0xeb: {  	s15 =	simm.s32 $0xB;
	v63 =	vand.u32 $0xFFFFFFFE, v62;
	v22 =	vadd.s32 v0, v22;
	v32 =	vmov s19;
	v24 =	vld.idx.msk [tilespmem:v60+s6+$0x0], $0xffff;
	[tilespmem:s8+$0xEE70] =	vst v19;
	s8 =	sor.u32 s4, s16  }
0xec: {  	v20 =	vperm.xlane v12, v1;
	v27 =	vmov s15;
	v18 =	vmul.f32 v26, v18;
	v29 =	vld [tilespmem:s21+$0x0];
	[tilespmem:s8+$0xEE40] =	vst v31  }
0xed: {  	v26 =	vadd.s32 v0, v30;
	v15 =	vperm.xlane v12, v3;
	v21 =	vld.idx.msk [tilespmem:v33+s6+$0x0], $0xffff;
	v31 =	vmul.f32 v61, v16;
	s23 =	rddreg [dreg:$0x6]  }
0xee: {  	v30 =	vbroadcast v63, $0x0;
	v19 =	vadd.s32 v0, v59;
	[tilespmem:s7+$0xEE30] =	vst v18;
	s7 =	simm.s32 $0xC;
	v18 =	vld.idx.msk [tilespmem:v35+s6+$0x0], $0xffff;
	v17 =	vmul.f32 v34, v17;
	s23 =	sadd.s32 s18, s23  }
.LBB2_5:
0xef: {  	p1 =	slt.u32 s7, $0x1FC;
	v16 =	vand.u32 $0xFFFFFFFC, v32;
	v32 =	vld [tilespmem:s21+$0xFFFFFFF0];
	v23 =	vmul.f32 v23, v8;
	v33 =	vadd.s32 v0, v13;
	[tilespmem:s11+$0xEE30] =	vst v31;
	s14 =	smov.u32 s7;
	s7 =	sadd.s32 $0x4, s7  }
0xf0: {  	v24 =	vmul.f32 v24, v6;
	s11 =	smov.u32 s29;
	s1 =	sadd.s32 $0x1, s14;
	v13 =	vbroadcast v16, $0x0;
	v28 =	vshll.u32 v28, $0x2;
	v16 =	vld.idx.msk [tilespmem:v25+s24+$0x0], $0xffff;
	[tilespmem:s12+$0xEE70] =	vst v17;
	s12 =	smov.u32 s8  }
0xf1: {  	v17 =	vmov s1;
	v25 =	vperm.xlane v28, v1;
	v31 =	vperm.xlane v28, v2;
	v27 =	vld.idx.msk [tilespmem:v27+s24+$0x0], $0xffff;
	[tilespmem:s11+$0xEE10] =	vst v23  }
0xf2: {  	v34 =	vperm.xlane v28, v3;
	v21 =	vmul.f32 v21, v7;
	v23 =	vld.idx.msk [tilespmem:v26+s6+$0x0], $0xffff;
	[tilespmem:s10+$0xEE50] =	vst v24  }
0xf3: {  	v20 =	vadd.s32 v0, v20;
	v24 =	vadd.s32 v0, v25;
	v25 =	vshll.u32 v29, $0x2;
	v22 =	vld.idx.msk [tilespmem:v22+s6+$0x0], $0xffff  }
0xf4: {  	v18 =	vmul.f32 v18, v5;
	v26 =	vshll.u32 v32, $0x2;
	v29 =	vld.idx.msk [tilespmem:v30+s24+$0x0], $0xffff;
	v30 =	vperm.xlane v25, v1;
	[tilespmem:s13+$0xEE10] =	vst v21  }
0xf5: {  	v35 =	vadd.s32 v0, v14;
	v32 =	vperm.xlane v25, v2;
	v21 =	vperm.xlane v26, v1;
	v19 =	vld.idx.msk [tilespmem:v19+s6+$0x0], $0xffff  }
0xf6: {  	v37 =	vperm.xlane v26, v2;
	v36 =	vld.idx.msk [tilespmem:v13+s24+$0x0], $0xffff;
	v14 =	vadd.s32 v0, v30;
	[tilespmem:s12+$0xEE50] =	vst v18  }
0xf7: {  	v13 =	vperm.xlane v26, v3;
	v18 =	vadd.s32 v0, v21;
	v21 =	vperm.xlane v25, v3;
	v30 =	vld.idx.msk [tilespmem:v33+s6+$0x0], $0xffff  }
0xf8: {  	v25 =	vperm.xlane v25, v4;
	v23 =	vmul.f32 v23, v8;
	v24 =	vld.idx.msk [tilespmem:v24+s6+$0x0], $0xffff  }
0xf9: {  	s21 =	sadd.s32 $0x40, s21;
	v26 =	vperm.xlane v26, v4;
	v33 =	vadd.s32 v0, v11;
	v40 =	vmul.f32 v22, v6;
	v20 =	vld.idx.msk [tilespmem:v20+s6+$0x0], $0xffff  }
0xfa: {  	v22 =	vld [tilespmem:s21+$0x10];
	[tilespmem:s11+$0xEE20] =	vst v23;
	v23 =	vadd.s32 v0, v9;
	v9 =	vperm.xlane v28, v4;
	v28 =	vadd.s32 v0, v10  }
0xfb: {  	v39 =	vperm.xlane v12, v2;
	s28 =	sadd.s32 $0x2000, s28;
	v11 =	vmov v25;
	v19 =	vmul.f32 v19, v7;
	v38 =	vld.idx.msk [tilespmem:v14+s6+$0x0], $0xffff;
	[tilespmem:s10+$0xEE60] =	vst v40  }
0xfc: {  	s1 =	sadd.s32 $0xFFFFF000, s28;
	v25 =	vadd.s32 v0, v31;
	v10 =	vmov v26;
	v14 =	vperm.xlane v12, v4;
	v31 =	vld.idx.msk [tilespmem:v35+s6+$0x0], $0xffff  }
0xfd: {  	s0 =	sadd.s32 $0x8, s0;
	s1 =	sand.u32 $0x1E000, s1;
	v26 =	vadd.s32 v0, v39;
	v30 =	vmul.f32 v30, v5;
	v18 =	vld.idx.msk [tilespmem:v18+s6+$0x0], $0xffff;
	[tilespmem:s13+$0xEE20] =	vst v19  }
0xfe: {  	s2 =	sadd.s32 $0x800, s2;
	s4 =	sand.u32 $0x380, s0;
	s1 =	sshrl.u32 s1, $0x2;
	v19 =	vmul.f32 v24, v36;
	v33 =	vld.idx.msk [tilespmem:v33+s6+$0x0], $0xffff  }
0xff: {  	s29 =	sor.u32 s4, s1;
	s1 =	sand.u32 $0x7C00, s2;
	v32 =	vadd.s32 v0, v32;
	v12 =	vshll.u32 v22, $0x2;
	v22 =	vmul.f32 v20, v27;
	v35 =	vld.idx.msk [tilespmem:v23+s6+$0x0], $0xffff;
	[tilespmem:s12+$0xEE60] =	vst v30  }
0x100: {  	s8 =	sand.u32 $0x1F000, s28;
	s1 =	sor.u32 s4, s1;
	v37 =	vadd.s32 v0, v37;
	v20 =	vperm.xlane v12, v1;
	[tilespmem:s29+$0xEE00] =	vst v19;
	v39 =	vld.idx.msk [tilespmem:v28+s6+$0x0], $0xffff  }
0x101: {  	s15 =	sadd.s32 $0xFFFFFA00, s2;
	s8 =	sshrl.u32 s8, $0x2;
	v17 =	vand.u32 $0xFFFFFFFD, v17;
	v30 =	vperm.xlane v12, v3;
	v19 =	vmul.f32 v38, v29;
	v23 =	vld.idx.msk [tilespmem:v25+s6+$0x0], $0xffff;
	[tilespmem:s1+$0xEE40] =	vst v22  }
.Ltmp1:
0x102: {  	s15 =	sand.u32 $0x7800, s15;
	s16 =	sor.u32 s4, s8;
	v25 =	vbroadcast v17, $0x0;
	v17 =	vmul.f32 v31, v6;
	v6 =	vmov v27;
	v24 =	vld.idx.msk [tilespmem:v26+s6+$0x0], $0xffff;
	(pc) =	sbr.rel @p1 .LBB2_5-.Ltmp1, $4  }
0x103: {  	s5 =	sadd.s32 $0x2, s14;
	s19 =	sadd.s32 $0x3, s14;
	s8 =	sor.u32 s4, s15;
	v22 =	vadd.s32 v0, v15;
	v18 =	vmul.f32 v18, v16;
	v28 =	vld [tilespmem:s21+$0xFFFFFFE0];
	[tilespmem:s16+$0xEE00] =	vst v19;
	v19 =	vadd.s32 v0, v21  }
0x104: {  	v27 =	vmov s19;
	v26 =	vmov s5;
	v15 =	vmovc v30;
	v33 =	vmul.f32 v33, v7;
	v7 =	vmovc v29;
	v21 =	vld.idx.msk [tilespmem:v32+s6+$0x0], $0xffff;
	[tilespmem:s10+$0xEE70] =	vst v17;
	s10 =	smov.u32 s1  }
0x105: {  	v17 =	vand.u32 $0xFFFFFFFE, v26;
	v26 =	vadd.s32 v0, v34;
	v31 =	vmul.f32 v35, v8;
	v8 =	vmovc v36;
	v29 =	vld [tilespmem:s21+$0x0];
	[tilespmem:s8+$0xEE40] =	vst v18  }
0x106: {  	v32 =	vmov s14;
	v30 =	vbroadcast v17, $0x0;
	v17 =	vmul.f32 v39, v5;
	v5 =	vmovc v16;
	v18 =	vld.idx.msk [tilespmem:v37+s6+$0x0], $0xffff;
	[tilespmem:s13+$0xEE30] =	vst v33;
	s13 =	smov.u32 s16  }
0x107: {  	v16 =	vld [tilespmem:s21+$0xFFFFFFF0];
	_ =	sdelay $0x2  }
0x108: {  	v32 =	vand.u32 $0xFFFFFFFC, v32;
	v20 =	vadd.s32 v0, v20;
	v29 =	vshll.u32 v29, $0x2  }
0x109: {  	v32 =	vbroadcast v32, $0x0;
	v28 =	vshll.u32 v28, $0x2;
	v33 =	vperm.xlane v29, v1  }
0x10a: {  	v34 =	vperm.xlane v28, v1;
	v35 =	vshll.u32 v16, $0x2  }
0x10b: {  	v16 =	vld.idx.msk [tilespmem:v25+s24+$0x0], $0xffff;
	v25 =	vperm.xlane v35, v1;
	v33 =	vadd.s32 v0, v33  }
0x10c: {  	v27 =	vld.idx.msk [tilespmem:v27+s24+$0x0], $0xffff;
	v34 =	vadd.s32 v0, v34  }
0x10d: {  	v30 =	vld.idx.msk [tilespmem:v30+s24+$0x0], $0xffff;
	v25 =	vadd.s32 v0, v25  }
0x10e: {  	v20 =	vld.idx.msk [tilespmem:v20+s6+$0x0], $0xffff  }
0x10f: {  	v32 =	vld.idx.msk [tilespmem:v32+s24+$0x0], $0xffff  }
0x110: {  	v36 =	vperm.xlane v12, v2;
	v33 =	vld.idx.msk [tilespmem:v33+s6+$0x0], $0xffff  }
0x111: {  	v23 =	vmul.f32 v23, v8;
	v37 =	vperm.xlane v29, v2;
	v34 =	vld.idx.msk [tilespmem:v34+s6+$0x0], $0xffff  }
0x112: {  	[tilespmem:s11+$0xEE30] =	vst v31;
	s1 =	sadd.s32 $0x2000, s28;
	v31 =	vperm.xlane v28, v2;
	v36 =	vadd.s32 v0, v36;
	v25 =	vld.idx.msk [tilespmem:v25+s6+$0x0], $0xffff  }
0x113: {  	v24 =	vmul.f32 v24, v6;
	s0 =	sadd.s32 $0x8, s0;
	s2 =	sadd.s32 $0x800, s2;
	[tilespmem:s12+$0xEE70] =	vst v17;
	s4 =	sadd.s32 $0xFFFFF000, s1;
	v17 =	vperm.xlane v35, v2;
	v37 =	vadd.s32 v0, v37  }
0x114: {  	s5 =	sand.u32 $0x380, s0;
	s16 =	sand.u32 $0x7C00, s2;
	s1 =	sand.u32 $0x1F000, s1;
	[tilespmem:s29+$0xEE10] =	vst v23;
	v23 =	vadd.s32 v0, v31;
	v20 =	vmul.f32 v20, v27  }
0x115: {  	[tilespmem:s10+$0xEE50] =	vst v24;
	s4 =	sand.u32 $0x1E000, s4;
	s0 =	sor.u32 s5, s16;
	s1 =	sshrl.u32 s1, $0x2;
	v26 =	vld.idx.msk [tilespmem:v26+s6+$0x0], $0xffff;
	v17 =	vadd.s32 v0, v17;
	v24 =	vmul.f32 v33, v30  }
0x116: {  	s19 =	sadd.s32 $0xFFFFFA00, s2;
	v22 =	vld.idx.msk [tilespmem:v22+s6+$0x0], $0xffff;
	s4 =	sshrl.u32 s4, $0x2;
	s7 =	sor.u32 s5, s1;
	[tilespmem:s0+$0xEE40] =	vst v20;
	v31 =	vmul.f32 v34, v32  }
0x117: {  	v13 =	vadd.s32 v0, v13;
	s21 =	sor.u32 s5, s4;
	s4 =	sand.u32 $0x7800, s19;
	v20 =	vld.idx.msk [tilespmem:v36+s6+$0x0], $0xffff;
	v25 =	vmul.f32 v25, v16;
	[tilespmem:s7+$0xEE00] =	vst v24  }
0x118: {  	v15 =	vadd.s32 v0, v15;
	v21 =	vmul.f32 v21, v7;
	s11 =	sor.u32 s5, s4;
	[tilespmem:s21+$0xEE00] =	vst v31;
	v24 =	vld.idx.msk [tilespmem:v37+s6+$0x0], $0xffff  }
0x119: {  	v14 =	vadd.s32 v0, v14;
	v52 =	vperm.xlane v29, v3;
	v23 =	vld.idx.msk [tilespmem:v23+s6+$0x0], $0xffff;
	[tilespmem:s11+$0xEE40] =	vst v25  }
0x11a: {  	v18 =	vmul.f32 v18, v5;
	[tilespmem:s13+$0xEE10] =	vst v21;
	v31 =	vperm.xlane v28, v3;
	v17 =	vld.idx.msk [tilespmem:v17+s6+$0x0], $0xffff  }
0x11b: {  	v11 =	vadd.s32 v0, v11;
	v19 =	vld.idx.msk [tilespmem:v19+s6+$0x0], $0xffff;
	v21 =	vperm.xlane v35, v3;
	v25 =	vadd.s32 v0, v52  }
0x11c: {  	[tilespmem:s8+$0xEE50] =	vst v18;
	v18 =	vperm.xlane v29, v4;
	v29 =	vadd.s32 v0, v31;
	v20 =	vmul.f32 v20, v27  }
0x11d: {  	v9 =	vadd.s32 v0, v9;
	v21 =	vadd.s32 v0, v21;
	v24 =	vmul.f32 v24, v30  }
0x11e: {  	v12 =	vperm.xlane v12, v4;
	v13 =	vld.idx.msk [tilespmem:v13+s6+$0x0], $0xffff;
	[tilespmem:s0+$0xEE50] =	vst v20;
	v23 =	vmul.f32 v23, v32  }
0x11f: {  	v10 =	vadd.s32 v0, v10;
	v15 =	vld.idx.msk [tilespmem:v15+s6+$0x0], $0xffff;
	v17 =	vmul.f32 v17, v16;
	[tilespmem:s7+$0xEE10] =	vst v24  }
0x120: {  	v12 =	vadd.s32 v0, v12;
	v20 =	vmul.f32 v22, v6;
	[tilespmem:s21+$0xEE10] =	vst v23;
	v22 =	vld.idx.msk [tilespmem:v25+s6+$0x0], $0xffff  }
0x121: {  	v26 =	vmul.f32 v26, v8;
	v19 =	vmul.f32 v19, v7;
	v23 =	vld.idx.msk [tilespmem:v29+s6+$0x0], $0xffff;
	[tilespmem:s11+$0xEE50] =	vst v17  }
0x122: {  	v18 =	vadd.s32 v0, v18;
	[tilespmem:s10+$0xEE60] =	vst v20;
	v17 =	vperm.xlane v28, v4;
	v20 =	vld.idx.msk [tilespmem:v21+s6+$0x0], $0xffff  }
0x123: {  	v13 =	vmul.f32 v13, v5;
	[tilespmem:s13+$0xEE20] =	vst v19;
	v31 =	vperm.xlane v35, v4;
	v14 =	vld.idx.msk [tilespmem:v14+s6+$0x0], $0xffff  }
0x124: {  	[tilespmem:s29+$0xEE20] =	vst v26;
	v11 =	vld.idx.msk [tilespmem:v11+s6+$0x0], $0xffff;
	v15 =	vmul.f32 v15, v27;
	v17 =	vadd.s32 v0, v17  }
0x125: {  	v9 =	vld.idx.msk [tilespmem:v9+s6+$0x0], $0xffff;
	[tilespmem:s8+$0xEE60] =	vst v13;
	v13 =	vadd.s32 v0, v31;
	v19 =	vmul.f32 v22, v30  }
0x126: {  	v10 =	vld.idx.msk [tilespmem:v10+s6+$0x0], $0xffff;
	[tilespmem:s0+$0xEE60] =	vst v15;
	v21 =	vmul.f32 v23, v32  }
0x127: {  	v12 =	vld.idx.msk [tilespmem:v12+s6+$0x0], $0xffff;
	v15 =	vmul.f32 v20, v16;
	[tilespmem:s7+$0xEE20] =	vst v19  }
0x128: {  	v6 =	vmul.f32 v14, v6;
	[tilespmem:s21+$0xEE20] =	vst v21;
	v14 =	vld.idx.msk [tilespmem:v18+s6+$0x0], $0xffff  }
0x129: {  	v7 =	vmul.f32 v11, v7;
	v11 =	vld.idx.msk [tilespmem:v17+s6+$0x0], $0xffff;
	[tilespmem:s11+$0xEE60] =	vst v15  }
0x12a: {  	[tilespmem:s10+$0xEE70] =	vst v6;
	v6 =	vmul.f32 v9, v8;
	v8 =	vld.idx.msk [tilespmem:v13+s6+$0x0], $0xffff  }
0x12b: {  	v5 =	vmul.f32 v10, v5;
	[tilespmem:s13+$0xEE30] =	vst v7  }
0x12c: {  	[tilespmem:s29+$0xEE30] =	vst v6;
	v6 =	vmul.f32 v12, v27  }
0x12d: {  	[tilespmem:s8+$0xEE70] =	vst v5;
	v5 =	vmul.f32 v14, v30  }
0x12e: {  	[tilespmem:s0+$0xEE70] =	vst v6;
	v6 =	vmul.f32 v11, v32  }
0x12f: {  	s8 =	sshll.u32 s23, $0xC;
	v7 =	vmul.f32 v8, v16;
	[tilespmem:s7+$0xEE30] =	vst v5  }
0x130: {  	s10 =	rddreg [dreg:$0x3];
	s0 =	sand.u32 $0x1FFFF000, s8;
	[tilespmem:s21+$0xEE30] =	vst v6  }
0x131: {  	s0 =	sadd.s32 s10, s0;
	[tilespmem:s11+$0xEE70] =	vst v7;
	s11 =	simm.s32 $0xEE00  }
0x132: {  	[hbm4b:s0+s6] =	stream.linear.scatter [tilespmem:s11], [sflag:$0x5], $0x8000, $0x38;
	[tilespmem:$0x1EE00] =	vst v63  }
0x133: {  	s12 =	rddreg [dreg:$0xc]  }
0x134: {  	s0 =	sadd.s32 s18, s12  }
0x135: {  	s13 =	sshll.u32 s0, $0xE  }
0x136: {  	s14 =	simm.s32 $0x80;
	s1 =	sand.u32 $0x3FC000, s13  }
0x137: {  	s15 =	simm.s32 $0x100;
	s16 =	simm.s32 $0x800;
	s1 =	sor.u32 s9, s1  }
0x138: {  	s19 =	smov.u32 s20;
	s0 =	sshll.u32 s0, $0x6;
	s1 =	sshrl.u32 s1, $0x3  }
0x139: {  	s0 =	sand.u32 $0x1FFFFFC0, s0;
	s1 =	sadd.s32 s20, s1;
	s20 =	rddreg [dreg:$0x2]  }
0x13a: {  	[tilespmem:s16], [sflag:$0x1] =	stream.strided.gather [hbm4b:s1+s14], $0x2000, s15, s14, $0x38;
	[tilespmem:$0x1EE00] =	vst v63  }
0x13b: {  	s0 =	sadd.s32 s20, s0  }
0x13c: {  	[tilespmem:s22], [sflag:$0x1] =	stream.linear.gather [hbm4b:s0+s6], $0x200, $0x38;
	[tilespmem:$0x1EE00] =	vst v63  }
0x13d: {  	_ =	swait.ge [sflag:s3], $0x2000  }
0x13e: {  	[sflag:s3] =	ssyncset.done $0x0  }
0x13f: {  	[sflag:s3] =	ssyncadd.s32 $0xFFFFE000  }
0x140: {  	_ =	swait.ge [sflag:s3], $0x200  }
0x141: {  	[sflag:s3] =	ssyncset.done $0x0  }
0x142: {  	s0 =	simm.s32 @!p0 $0x6;
	[sflag:s3] =	ssyncadd.s32 $0xFFFFFE00  }
0x143: {  	_ =	swait.ge @!p0 [sflag:s0], $0x8000  }
0x144: {  	[sflag:s0] =	ssyncset.done @!p0 $0x0  }
0x145: {  	s21 =	simm.s32 $0x4820;
	[sflag:s0] =	ssyncadd.s32 @!p0 $0xFFFF8000  }
0x146: {  	v5 =	vld [tilespmem:s21+$0xFFFFFFE0]  }
0x147: {  	s23 =	simm.s32 $0x0  }
0x148: {  	v8 =	vmov s23;
	v6 =	vld [tilespmem:s21+$0x0]  }
0x149: {  	v8 =	vand.u32 $0xFFFFFFFC, v8;
	v7 =	vld [tilespmem:s21+$0xFFFFFFF0]  }
0x14a: {  	v8 =	vbroadcast v8, $0x0;
	v9 =	vld [tilespmem:s21+$0x10]  }
0x14b: {  	v11 =	vshll.u32 v5, $0x2  }
0x14c: {  	s4 =	simm.s32 $0x1;
	s5 =	simm.s32 $0x3;
	v10 =	vperm.xlane v11, v1  }
0x14d: {  	v13 =	vmov s5;
	v5 =	vmov s4;
	v6 =	vshll.u32 v6, $0x2  }
0x14e: {  	v7 =	vshll.u32 v7, $0x2;
	v5 =	vand.u32 $0xFFFFFFFD, v5;
	v10 =	vadd.s32 v0, v10  }
0x14f: {  	v14 =	vshll.u32 v9, $0x2;
	v9 =	vperm.xlane v7, v1;
	v5 =	vbroadcast v5, $0x0  }
0x150: {  	s7 =	simm.s32 $0x2;
	s11 =	simm.s32 $0x4860;
	v16 =	vld.idx.msk [tilespmem:v8+s30+$0x0], $0xffff;
	v12 =	vperm.xlane v6, v1  }
0x151: {  	v15 =	vmov s7;
	v24 =	vld [tilespmem:s11+$0x0];
	v17 =	vperm.xlane v14, v1;
	v18 =	vadd.s32 v0, v9  }
0x152: {  	v15 =	vand.u32 $0xFFFFFFFE, v15;
	v8 =	vld.idx.msk [tilespmem:v13+s30+$0x0], $0xffff;
	v12 =	vadd.s32 v0, v12  }
0x153: {  	v15 =	vbroadcast v15, $0x0;
	v17 =	vadd.s32 v0, v17;
	v10 =	vld.idx.msk [tilespmem:v10+s6+$0x0], $0xffff  }
0x154: {  	v26 =	vld [tilespmem:s11+$0x10]  }
0x155: {  	v9 =	vld.idx.msk [tilespmem:v5+s30+$0x0], $0xffff  }
0x156: {  	s8 =	simm.s32 $0x0;
	v24 =	vshll.u32 v24, $0x2;
	v5 =	vperm.xlane v11, v2;
	v13 =	vld.idx.msk [tilespmem:v18+s6+$0x0], $0xffff  }
0x157: {  	s10 =	simm.s32 $0x5;
	s0 =	sand.u32 $0x1E000, s8;
	v31 =	vperm.xlane v24, v1;
	v12 =	vld.idx.msk [tilespmem:v12+s6+$0x0], $0xffff  }
0x158: {  	s13 =	simm.s32 $0x0;
	s1 =	sand.u32 $0x380, s23;
	s0 =	sshrl.u32 s0, $0x2;
	v19 =	vperm.xlane v7, v2;
	v17 =	vld.idx.msk [tilespmem:v17+s6+$0x0], $0xffff;
	v5 =	vadd.s32 v0, v5;
	v18 =	vmul.f32 v10, v16  }
0x159: {  	v20 =	vmov s10;
	s0 =	sor.u32 s1, s0;
	s4 =	sand.u32 $0x7800, s13;
	s13 =	simm.s32 $0x48A0;
	v21 =	vperm.xlane v14, v2;
	v31 =	vadd.s32 v0, v31;
	v10 =	vld.idx.msk [tilespmem:v15+s30+$0x0], $0xffff  }
0x15a: {  	v20 =	vand.u32 $0xFFFFFFFD, v20;
	s16 =	simm.s32 $0x4;
	v22 =	vperm.xlane v6, v2;
	v56 =	vld [tilespmem:s13+$0xFFFFFFE0];
	[tilespmem:s0+$0x16E00] =	vst v18;
	v18 =	vadd.s32 v0, v19  }
0x15b: {  	s14 =	simm.s32 $0x600;
	v25 =	vmov s16;
	s4 =	sor.u32 s1, s4;
	v13 =	vmul.f32 v13, v9;
	v19 =	vadd.s32 v0, v21;
	v21 =	vld [tilespmem:s11+$0xFFFFFFE0]  }
0x15c: {  	v20 =	vbroadcast v20, $0x0;
	s15 =	simm.s32 $0x1000;
	s5 =	sand.u32 $0x7C00, s14;
	v25 =	vand.u32 $0xFFFFFFFC, v25;
	s12 =	sadd.s32 $0x16E00, s4;
	v22 =	vadd.s32 v0, v22;
	v15 =	vld [tilespmem:s11+$0xFFFFFFF0]  }
0x15d: {  	s20 =	sand.u32 $0x1F000, s15;
	s5 =	sor.u32 s1, s5;
	v17 =	vmul.f32 v17, v8;
	[tilespmem:s12+$0x40] =	vst v13;
	v13 =	vbroadcast v25, $0x0;
	v5 =	vld.idx.msk [tilespmem:v5+s6+$0x0], $0xffff  }
0x15e: {  	s21 =	simm.s32 $0x7;
	v26 =	vshll.u32 v26, $0x2;
	v23 =	vperm.xlane v11, v3;
	s4 =	sshrl.u32 s20, $0x2;
	v31 =	vld.idx.msk [tilespmem:v31+s6+$0x0], $0xffff;
	s11 =	sadd.s32 $0x16E00, s5;
	v12 =	vmul.f32 v12, v10  }
0x15f: {  	v28 =	vperm.xlane v14, v3;
	v55 =	vperm.xlane v26, v2;
	s1 =	sor.u32 s1, s4;
	v25 =	vmov s21;
	[tilespmem:s11+$0x40] =	vst v17;
	v18 =	vld.idx.msk [tilespmem:v18+s6+$0x0], $0xffff  }
0x160: {  	v23 =	vadd.s32 v0, v23;
	[tilespmem:s1+$0x16E00] =	vst v12;
	v12 =	vld.idx.msk [tilespmem:v19+s6+$0x0], $0xffff;
	v19 =	vperm.xlane v7, v3;
	v29 =	vshll.u32 v21, $0x2  }
0x161: {  	v21 =	vld.idx.msk [tilespmem:v22+s6+$0x0], $0xffff;
	v22 =	vperm.xlane v7, v4;
	v7 =	vperm.xlane v29, v1  }
0x162: {  	v17 =	vperm.xlane v6, v3;
	v15 =	vshll.u32 v15, $0x2;
	v27 =	vmul.f32 v5, v16;
	v5 =	vld.idx.msk [tilespmem:v20+s30+$0x0], $0xffff  }
0x163: {  	s23 =	simm.s32 $0x6;
	s10 =	sadd.s32 $0x16E00, s0;
	v20 =	vadd.s32 v0, v28;
	v28 =	vperm.xlane v6, v4;
	v6 =	vld.idx.msk [tilespmem:v13+s30+$0x0], $0xffff;
	v30 =	vadd.s32 v0, v7  }
0x164: {  	v53 =	vmov s23;
	v11 =	vperm.xlane v11, v4;
	v54 =	vperm.xlane v15, v1;
	[tilespmem:s10+$0x10] =	vst v27;
	v7 =	vld.idx.msk [tilespmem:v25+s30+$0x0], $0xffff  }
0x165: {  	v13 =	vperm.xlane v26, v1;
	v27 =	vperm.xlane v14, v4;
	v14 =	vld.idx.msk [tilespmem:v23+s6+$0x0], $0xffff;
	v23 =	vadd.s32 v0, v19  }
0x166: {  	v33 =	vadd.s32 v0, v54;
	v25 =	vadd.s32 v0, v17;
	v17 =	vld [tilespmem:s13+$0xFFFFFFF0];
	v12 =	vmul.f32 v12, v8  }
0x167: {  	v32 =	vand.u32 $0xFFFFFFFE, v53;
	v58 =	vperm.xlane v29, v2;
	v19 =	vld [tilespmem:s13+$0x0];
	v18 =	vmul.f32 v18, v9  }
0x168: {  	v32 =	vbroadcast v32, $0x0;
	v57 =	vadd.s32 v0, v13;
	v21 =	vmul.f32 v21, v10;
	[tilespmem:s11+$0x50] =	vst v12;
	v30 =	vld.idx.msk [tilespmem:v30+s6+$0x0], $0xffff  }
0x169: {  	s29 =	sadd.s32 $0x16E00, s1;
	v38 =	vperm.xlane v15, v3;
	v37 =	vadd.s32 v0, v58;
	[tilespmem:s12+$0x50] =	vst v18;
	v20 =	vld.idx.msk [tilespmem:v20+s6+$0x0], $0xffff  }
0x16a: {  	v12 =	vperm.xlane v26, v3;
	[tilespmem:s29+$0x10] =	vst v21;
	v21 =	vadd.s32 v0, v11;
	v23 =	vld.idx.msk [tilespmem:v23+s6+$0x0], $0xffff  }
0x16b: {  	v22 =	vadd.s32 v0, v22;
	v11 =	vperm.xlane v26, v4;
	v26 =	vld.idx.msk [tilespmem:v33+s6+$0x0], $0xffff;
	v14 =	vmul.f32 v14, v16  }
0x16c: {  	s2 =	simm.s32 $0x2000;
	s14 =	simm.s32 $0x9;
	v18 =	vperm.xlane v24, v3;
	v25 =	vld.idx.msk [tilespmem:v25+s6+$0x0], $0xffff;
	v13 =	vadd.s32 v0, v12;
	v12 =	vperm.xlane v15, v4  }
0x16d: {  	s23 =	simm.s32 $0x8;
	v60 =	vmov s14;
	s0 =	sand.u32 $0x1E000, s2;
	v36 =	vld.idx.msk [tilespmem:v57+s6+$0x0], $0xffff;
	[tilespmem:s10+$0x20] =	vst v14;
	v14 =	vperm.xlane v24, v4;
	v24 =	vperm.xlane v24, v2  }
0x16e: {  	s4 =	sand.u32 $0x380, s23;
	s0 =	sshrl.u32 s0, $0x2;
	v59 =	vadd.s32 v0, v27;
	v27 =	vmul.f32 v30, v6;
	v30 =	vperm.xlane v15, v2;
	v15 =	vld.idx.msk [tilespmem:v32+s30+$0x0], $0xffff  }
0x16f: {  	s16 =	simm.s32 $0x800;
	v41 =	vadd.s32 v0, v55;
	s15 =	sor.u32 s4, s0;
	v28 =	vadd.s32 v0, v28;
	v39 =	vld.idx.msk [tilespmem:v21+s6+$0x0], $0xffff;
	v23 =	vmul.f32 v23, v9  }
0x170: {  	s14 =	simm.s32 $0xB;
	s8 =	simm.s32 $0x8;
	s0 =	simm.s32 $0xE00;
	v20 =	vmul.f32 v20, v8;
	v21 =	vadd.s32 v0, v24;
	v24 =	vperm.xlane v29, v3;
	v32 =	vld [tilespmem:s13+$0x10];
	[tilespmem:s15+$0x16E00] =	vst v27  }
0x171: {  	s2 =	simm.s32 $0x3000;
	s5 =	sand.u32 $0x7800, s16;
	s20 =	sand.u32 $0x7C00, s0;
	v25 =	vmul.f32 v25, v10;
	v27 =	vand.u32 $0xFFFFFFFD, v60;
	v40 =	vadd.s32 v0, v30;
	v37 =	vld.idx.msk [tilespmem:v37+s6+$0x0], $0xffff;
	[tilespmem:s12+$0x60] =	vst v23  }
0x172: {  	s5 =	sor.u32 s4, s5;
	s21 =	sand.u32 $0x1F000, s2;
	s7 =	sor.u32 s4, s20;
	v61 =	vmul.f32 v36, v7;
	[tilespmem:s11+$0x60] =	vst v20;
	v23 =	vbroadcast v27, $0x0;
	v27 =	vld.idx.msk [tilespmem:v22+s6+$0x0], $0xffff  }
0x173: {  	s28 =	sadd.s32 $0x16E00, s5;
	s5 =	sshrl.u32 s21, $0x2;
	s21 =	sadd.s32 $0x16E00, s7;
	v26 =	vmul.f32 v26, v5;
	v29 =	vperm.xlane v29, v4;
	[tilespmem:s29+$0x20] =	vst v25;
	v25 =	vmov s8;
	v22 =	vld.idx.msk [tilespmem:v59+s6+$0x0], $0xffff  }
0x174: {  	v30 =	vmov s14;
	[tilespmem:s21+$0x40] =	vst v61;
	v28 =	vld.idx.msk [tilespmem:v28+s6+$0x0], $0xffff;
	v62 =	vand.u32 $0xFFFFFFFC, v25;
	v63 =	vmul.f32 v31, v15  }
0x175: {  	s7 =	sor.u32 s4, s5;
	v20 =	vadd.s32 v0, v38;
	[tilespmem:s28+$0x40] =	vst v26;
	v25 =	vadd.s32 v0, v24;
	v24 =	vld.idx.msk [tilespmem:v41+s6+$0x0], $0xffff;
	v31 =	vbroadcast v62, $0x0  }
0x176: {  	s16 =	sadd.s32 $0x16E00, s15;
	s14 =	simm.s32 $0xC;
	v34 =	vmul.f32 v39, v16;
	v16 =	vshll.u32 v56, $0x2;
	v26 =	vld.idx.msk [tilespmem:v40+s6+$0x0], $0xffff;
	[tilespmem:s7+$0x16E00] =	vst v63;
	v33 =	vmul.f32 v37, v6  }
.LBB2_7:
0x177: {  	s1 =	sadd.s32 $0x1, s14;
	s4 =	sadd.s32 $0x2, s8  }
0x178: {  	v21 =	vld.idx.msk [tilespmem:v21+s6+$0x0], $0xffff;
	v35 =	vadd.s32 v0, v18;
	[tilespmem:s10+$0x30] =	vst v34;
	v18 =	vmul.f32 v27, v9;
	v9 =	vmov v5;
	s8 =	smov.u32 s14;
	s15 =	sadd.s32 $0x4, s14;
	s10 =	smov.u32 s16  }
0x179: {  	p0 =	slt.u32 s14, $0x1FC;
	v34 =	vperm.xlane v16, v1;
	v27 =	vmov s1;
	v5 =	vld.idx.msk [tilespmem:v23+s30+$0x0], $0xffff;
	[tilespmem:s10+$0x10] =	vst v33;
	v23 =	vadd.s32 v0, v29  }
0x17a: {  	v29 =	vmov s4;
	v32 =	vshll.u32 v32, $0x2;
	v25 =	vld.idx.msk [tilespmem:v25+s6+$0x0], $0xffff;
	[tilespmem:s12+$0x70] =	vst v18;
	v18 =	vmul.f32 v28, v10;
	v10 =	vmovc v15;
	s12 =	smov.u32 s28  }
0x17b: {  	v15 =	vadd.s32 v0, v34;
	v28 =	vand.u32 $0xFFFFFFFE, v29;
	v29 =	vld.idx.msk [tilespmem:v30+s30+$0x0], $0xffff;
	v30 =	vperm.xlane v32, v1  }
0x17c: {  	s13 =	sadd.s32 $0x40, s13;
	v34 =	vperm.xlane v32, v2;
	v33 =	vld.idx.msk [tilespmem:v31+s30+$0x0], $0xffff;
	v31 =	vshll.u32 v19, $0x2;
	[tilespmem:s29+$0x30] =	vst v18;
	v18 =	vmul.f32 v22, v8  }
0x17d: {  	v26 =	vmul.f32 v26, v9;
	v22 =	vshll.u32 v17, $0x2;
	v8 =	vmovc v7;
	v17 =	vld [tilespmem:s13+$0xFFFFFFF0];
	v36 =	vperm.xlane v31, v1  }
0x17e: {  	v27 =	vand.u32 $0xFFFFFFFD, v27;
	v7 =	vperm.xlane v22, v1;
	v24 =	vmul.f32 v24, v8;
	v19 =	vld [tilespmem:s13+$0x0];
	[tilespmem:s11+$0x70] =	vst v18;
	s11 =	smov.u32 s21  }
0x17f: {  	v21 =	vmul.f32 v21, v10;
	v18 =	vperm.xlane v31, v3;
	v37 =	vld [tilespmem:s13+$0xFFFFFFE0];
	v36 =	vadd.s32 v0, v36;
	[tilespmem:s12+$0x50] =	vst v26  }
0x180: {  	v40 =	vperm.xlane v32, v3;
	v38 =	vperm.xlane v22, v3;
	v26 =	vadd.s32 v0, v7;
	v15 =	vld.idx.msk [tilespmem:v15+s6+$0x0], $0xffff  }
0x181: {  	v28 =	vbroadcast v28, $0x0;
	s29 =	sadd.s32 $0x16E00, s7;
	v30 =	vadd.s32 v0, v30;
	v25 =	vmul.f32 v25, v6;
	v20 =	vld.idx.msk [tilespmem:v20+s6+$0x0], $0xffff;
	[tilespmem:s11+$0x50] =	vst v24  }
0x182: {  	v24 =	vperm.xlane v16, v2;
	v7 =	vmov v29;
	[tilespmem:s29+$0x10] =	vst v21;
	v39 =	vld.idx.msk [tilespmem:v13+s6+$0x0], $0xffff;
	v13 =	vadd.s32 v0, v40  }
0x183: {  	s2 =	sadd.s32 $0x2000, s2;
	v29 =	vperm.xlane v32, v4;
	v21 =	vperm.xlane v22, v4;
	[tilespmem:s10+$0x20] =	vst v25;
	v25 =	vld.idx.msk [tilespmem:v35+s6+$0x0], $0xffff  }
0x184: {  	s1 =	sadd.s32 $0xFFFFF000, s2;
	v32 =	vperm.xlane v31, v4;
	v24 =	vadd.s32 v0, v24;
	v35 =	vld.idx.msk [tilespmem:v36+s6+$0x0], $0xffff  }
0x185: {  	s0 =	sadd.s32 $0x800, s0;
	s23 =	sadd.s32 $0x8, s23;
	s1 =	sand.u32 $0x1E000, s1;
	v40 =	vadd.s32 v0, v11;
	v11 =	vmovc v29;
	v36 =	vadd.s32 v0, v12;
	v12 =	vmov v21;
	v26 =	vld.idx.msk [tilespmem:v26+s6+$0x0], $0xffff  }
0x186: {  	s4 =	sand.u32 $0x380, s23;
	s5 =	sand.u32 $0x7C00, s0;
	s1 =	sshrl.u32 s1, $0x2;
	v29 =	vperm.xlane v31, v2;
	v31 =	vadd.s32 v0, v14;
	v21 =	vmul.f32 v15, v33;
	v30 =	vld.idx.msk [tilespmem:v30+s6+$0x0], $0xffff  }
0x187: {  	s5 =	sor.u32 s4, s5;
	s1 =	sor.u32 s4, s1;
	v41 =	vadd.s32 v0, v34;
	v22 =	vperm.xlane v22, v2;
	v20 =	vmul.f32 v20, v9;
	v15 =	vld.idx.msk [tilespmem:v28+s30+$0x0], $0xffff  }
0x188: {  	s16 =	sadd.s32 $0x16E00, s1;
	v14 =	vmov v32;
	v28 =	vmul.f32 v39, v8;
	[tilespmem:s1+$0x16E00] =	vst v21;
	v21 =	vadd.s32 v0, v29;
	v29 =	vld.idx.msk [tilespmem:v23+s6+$0x0], $0xffff  }
0x189: {  	v34 =	vadd.s32 v0, v22;
	s1 =	sadd.s32 $0xFFFFFA00, s0;
	v24 =	vld.idx.msk [tilespmem:v24+s6+$0x0], $0xffff;
	[tilespmem:s12+$0x60] =	vst v20;
	v20 =	vmul.f32 v25, v10  }
0x18a: {  	v23 =	vbroadcast v27, $0x0;
	s1 =	sand.u32 $0x7800, s1;
	v27 =	vld.idx.msk [tilespmem:v36+s6+$0x0], $0xffff;
	[tilespmem:s11+$0x60] =	vst v28  }
.Ltmp2:
0x18b: {  	v25 =	vperm.xlane v16, v3;
	v26 =	vmul.f32 v26, v5;
	s1 =	sor.u32 s4, s1;
	[tilespmem:s29+$0x20] =	vst v20;
	v22 =	vld.idx.msk [tilespmem:v40+s6+$0x0], $0xffff;
	(pc) =	sbr.rel @p0 .LBB2_7-.Ltmp2, $4  }
0x18c: {  	v32 =	vmov s8;
	s28 =	sadd.s32 $0x16E00, s1;
	v20 =	vadd.s32 v0, v38;
	s1 =	sand.u32 $0x1F000, s2;
	v36 =	vmul.f32 v30, v7;
	v28 =	vld.idx.msk [tilespmem:v31+s6+$0x0], $0xffff  }
0x18d: {  	s7 =	sadd.s32 $0x3, s8;
	s21 =	sadd.s32 $0x16E00, s5;
	v30 =	vand.u32 $0xFFFFFFFC, v32;
	v25 =	vadd.s32 v0, v25;
	v35 =	vmul.f32 v35, v15;
	s1 =	sshrl.u32 s1, $0x2;
	v32 =	vld [tilespmem:s13+$0x10];
	[tilespmem:s28+$0x40] =	vst v26  }
0x18e: {  	v31 =	vbroadcast v30, $0x0;
	v30 =	vmov s7;
	s7 =	sor.u32 s4, s1;
	v26 =	vld.idx.msk [tilespmem:v34+s6+$0x0], $0xffff;
	[tilespmem:s21+$0x40] =	vst v36;
	v34 =	vmul.f32 v29, v6;
	v6 =	vmovc v33  }
0x18f: {  	s14 =	smov.u32 s15;
	v29 =	vperm.xlane v16, v4;
	v16 =	vshll.u32 v37, $0x2;
	v33 =	vmul.f32 v24, v6;
	[tilespmem:s7+$0x16E00] =	vst v35;
	v24 =	vld.idx.msk [tilespmem:v41+s6+$0x0], $0xffff  }
0x190: {  	_ = 	snop  }
0x191: {  	v35 =	vperm.xlane v16, v1;
	v36 =	vshll.u32 v19, $0x2  }
0x192: {  	s1 =	sadd.s32 $0x2, s8;
	v37 =	vshll.u32 v17, $0x2;
	v51 =	vperm.xlane v36, v1  }
0x193: {  	v52 =	vmov s1;
	v38 =	vperm.xlane v37, v1;
	v35 =	vadd.s32 v0, v35  }
0x194: {  	v17 =	vld.idx.msk [tilespmem:v23+s30+$0x0], $0xffff;
	v32 =	vshll.u32 v32, $0x2;
	v19 =	vand.u32 $0xFFFFFFFE, v52;
	v39 =	vadd.s32 v0, v51  }
0x195: {  	v23 =	vld.idx.msk [tilespmem:v31+s30+$0x0], $0xffff;
	v40 =	vperm.xlane v32, v1;
	v38 =	vadd.s32 v0, v38;
	v41 =	vbroadcast v19, $0x0  }
0x196: {  	v21 =	vld.idx.msk [tilespmem:v21+s6+$0x0], $0xffff  }
0x197: {  	v19 =	vld.idx.msk [tilespmem:v30+s30+$0x0], $0xffff;
	v53 =	vadd.s32 v0, v40  }
0x198: {  	v54 =	vld.idx.msk [tilespmem:v35+s6+$0x0], $0xffff  }
0x199: {  	v55 =	vld.idx.msk [tilespmem:v39+s6+$0x0], $0xffff  }
0x19a: {  	v9 =	vmul.f32 v27, v9;
	v56 =	vperm.xlane v16, v2;
	v57 =	vld.idx.msk [tilespmem:v38+s6+$0x0], $0xffff  }
0x19b: {  	[tilespmem:s10+$0x30] =	vst v34;
	s10 =	sadd.s32 $0x2000, s2;
	v58 =	vmul.f32 v28, v10;
	v59 =	vperm.xlane v37, v2;
	v28 =	vld.idx.msk [tilespmem:v41+s30+$0x0], $0xffff  }
0x19c: {  	v8 =	vmul.f32 v22, v8;
	s0 =	sadd.s32 $0x800, s0;
	s2 =	sadd.s32 $0xFFFFF000, s10;
	v61 =	vperm.xlane v36, v2;
	v60 =	vadd.s32 v0, v56;
	v30 =	vld.idx.msk [tilespmem:v53+s6+$0x0], $0xffff  }
0x19d: {  	s4 =	sadd.s32 $0x8, s23;
	v18 =	vadd.s32 v0, v18;
	[tilespmem:s16+$0x10] =	vst v33;
	s5 =	sadd.s32 $0xFFFFFA00, s0;
	s2 =	sand.u32 $0x1E000, s2;
	v62 =	vperm.xlane v32, v2;
	v10 =	vadd.s32 v0, v59  }
0x19e: {  	v42 =	vperm.xlane v16, v3;
	s4 =	sand.u32 $0x380, s4;
	[tilespmem:s12+$0x70] =	vst v9;
	s5 =	sand.u32 $0x7800, s5;
	s2 =	sshrl.u32 s2, $0x2;
	v35 =	vadd.s32 v0, v61;
	v63 =	vmul.f32 v54, v23  }
0x19f: {  	v12 =	vadd.s32 v0, v12;
	s1 =	sand.u32 $0x1F000, s10;
	[tilespmem:s11+$0x70] =	vst v8;
	s12 =	sor.u32 s4, s5;
	s11 =	sor.u32 s4, s2;
	v9 =	vadd.s32 v0, v62;
	v38 =	vmul.f32 v57, v17  }
0x1a0: {  	v11 =	vadd.s32 v0, v11;
	s13 =	sand.u32 $0x7C00, s0;
	v25 =	vld.idx.msk [tilespmem:v25+s6+$0x0], $0xffff;
	s1 =	sshrl.u32 s1, $0x2;
	s14 =	sadd.s32 $0x16E00, s12;
	[tilespmem:s11+$0x16E00] =	vst v63;
	v39 =	vmul.f32 v55, v28  }
0x1a1: {  	v43 =	vperm.xlane v36, v3;
	s15 =	sor.u32 s4, s13;
	s1 =	sor.u32 s4, s1;
	v22 =	vld.idx.msk [tilespmem:v60+s6+$0x0], $0xffff;
	v41 =	vmul.f32 v30, v19;
	[tilespmem:s14+$0x40] =	vst v38  }
0x1a2: {  	v44 =	vperm.xlane v37, v3;
	v26 =	vmul.f32 v26, v5;
	s2 =	sadd.s32 $0x16E00, s15;
	v10 =	vld.idx.msk [tilespmem:v10+s6+$0x0], $0xffff;
	[tilespmem:s1+$0x16E00] =	vst v39  }
0x1a3: {  	v50 =	vperm.xlane v37, v4;
	v56 =	vperm.xlane v36, v4;
	[tilespmem:s2+$0x40] =	vst v41;
	v45 =	vld.idx.msk [tilespmem:v35+s6+$0x0], $0xffff  }
0x1a4: {  	[tilespmem:s28+$0x50] =	vst v26;
	v21 =	vmul.f32 v21, v15;
	v26 =	vadd.s32 v0, v42;
	v9 =	vld.idx.msk [tilespmem:v9+s6+$0x0], $0xffff  }
0x1a5: {  	s20 =	sadd.s32 $0x16E00, s7;
	[tilespmem:s29+$0x30] =	vst v58;
	v46 =	vperm.xlane v32, v3;
	v47 =	vadd.s32 v0, v44;
	v24 =	vmul.f32 v24, v7  }
0x1a6: {  	v8 =	vadd.s32 v0, v43;
	v20 =	vld.idx.msk [tilespmem:v20+s6+$0x0], $0xffff;
	[tilespmem:s20+$0x10] =	vst v21;
	v49 =	vmul.f32 v22, v23  }
0x1a7: {  	v48 =	vadd.s32 v0, v46;
	s23 =	sadd.s32 $0x16E00, s11;
	[tilespmem:s21+$0x50] =	vst v24;
	v18 =	vld.idx.msk [tilespmem:v18+s6+$0x0], $0xffff;
	v10 =	vmul.f32 v10, v17  }
0x1a8: {  	v40 =	vadd.s32 v0, v29;
	v13 =	vld.idx.msk [tilespmem:v13+s6+$0x0], $0xffff;
	[tilespmem:s23+$0x10] =	vst v49;
	v52 =	vmul.f32 v45, v28  }
0x1a9: {  	v25 =	vmul.f32 v25, v6;
	s1 =	sadd.s32 $0x16E00, s1;
	v26 =	vld.idx.msk [tilespmem:v26+s6+$0x0], $0xffff;
	v9 =	vmul.f32 v9, v19;
	[tilespmem:s14+$0x50] =	vst v10  }
0x1aa: {  	v53 =	vadd.s32 v0, v14;
	v54 =	vperm.xlane v16, v4;
	v55 =	vld.idx.msk [tilespmem:v47+s6+$0x0], $0xffff;
	[tilespmem:s1+$0x10] =	vst v52  }
0x1ab: {  	v51 =	vperm.xlane v32, v4;
	v20 =	vmul.f32 v20, v5;
	[tilespmem:s2+$0x50] =	vst v9;
	v8 =	vld.idx.msk [tilespmem:v8+s6+$0x0], $0xffff  }
0x1ac: {  	[tilespmem:s16+$0x20] =	vst v25;
	v18 =	vmul.f32 v18, v15;
	v14 =	vadd.s32 v0, v54;
	v57 =	vld.idx.msk [tilespmem:v48+s6+$0x0], $0xffff  }
0x1ad: {  	v59 =	vadd.s32 v0, v50;
	v58 =	vld.idx.msk [tilespmem:v40+s6+$0x0], $0xffff;
	v13 =	vmul.f32 v13, v7;
	[tilespmem:s28+$0x60] =	vst v20  }
0x1ae: {  	v12 =	vld.idx.msk [tilespmem:v12+s6+$0x0], $0xffff;
	[tilespmem:s20+$0x20] =	vst v18;
	v9 =	vadd.s32 v0, v56;
	v60 =	vmul.f32 v26, v23  }
0x1af: {  	v61 =	vadd.s32 v0, v51;
	[tilespmem:s21+$0x60] =	vst v13;
	v10 =	vld.idx.msk [tilespmem:v53+s6+$0x0], $0xffff;
	v16 =	vmul.f32 v55, v17  }
0x1b0: {  	v11 =	vld.idx.msk [tilespmem:v11+s6+$0x0], $0xffff;
	[tilespmem:s23+$0x20] =	vst v60;
	v8 =	vmul.f32 v8, v28  }
0x1b1: {  	v14 =	vld.idx.msk [tilespmem:v14+s6+$0x0], $0xffff;
	v62 =	vmul.f32 v57, v19;
	[tilespmem:s14+$0x60] =	vst v16  }
0x1b2: {  	v6 =	vmul.f32 v58, v6;
	v16 =	vld.idx.msk [tilespmem:v59+s6+$0x0], $0xffff;
	[tilespmem:s1+$0x20] =	vst v8  }
0x1b3: {  	v5 =	vmul.f32 v12, v5;
	[tilespmem:s2+$0x60] =	vst v62;
	v8 =	vld.idx.msk [tilespmem:v9+s6+$0x0], $0xffff  }
0x1b4: {  	[tilespmem:s16+$0x30] =	vst v6;
	v6 =	vmul.f32 v10, v15;
	v63 =	vld.idx.msk [tilespmem:v61+s6+$0x0], $0xffff  }
0x1b5: {  	[tilespmem:s28+$0x70] =	vst v5;
	v5 =	vmul.f32 v11, v7  }
0x1b6: {  	[tilespmem:s20+$0x30] =	vst v6;
	v6 =	vmul.f32 v14, v23  }
0x1b7: {  	p0 =	seq.s32 s17, $0x4;
	[tilespmem:s21+$0x70] =	vst v5;
	v5 =	vmul.f32 v16, v17  }
.Ltmp3:
0x1b8: {  	[tilespmem:s23+$0x30] =	vst v6;
	v6 =	vmul.f32 v8, v28;
	(pc) =	sbr.rel @p0 .LBB2_10-.Ltmp3, $4  }
0x1b9: {  	s25 =	sshll.u32 s25, $0xC;
	[tilespmem:s14+$0x70] =	vst v5;
	v5 =	vmul.f32 v63, v19  }
0x1ba: {  	s0 =	sand.u32 $0x1FFFF000, s25;
	s28 =	rddreg [dreg:$0x3];
	[tilespmem:s1+$0x30] =	vst v6  }
0x1bb: {  	s29 =	simm.s32 $0x16E00;
	s0 =	sadd.s32 s28, s0;
	[tilespmem:s2+$0x70] =	vst v5  }
0x1bc: {  	[hbm4b:s0+s6] =	stream.linear.scatter [tilespmem:s29], [sflag:$0x6], $0x8000, $0x38;
	[tilespmem:$0x1EE00] =	vst v63  }
0x1bd: {  	s0 =	rddreg [dreg:$0xd]  }
0x1be: {  	s0 =	sadd.s32 s18, s0  }
0x1bf: {  	s1 =	sshll.u32 s0, $0xE  }
0x1c0: {  	s2 =	simm.s32 $0x80;
	s1 =	sand.u32 $0x3FC000, s1  }
0x1c1: {  	s4 =	simm.s32 $0x100;
	s5 =	simm.s32 $0x2800;
	s1 =	sor.u32 s9, s1  }
.Ltmp4:
0x1c2: {  	s0 =	sshll.u32 s0, $0x6;
	s1 =	sshrl.u32 s1, $0x3;
	(pc) =	sbr.rel .LBB2_2-.Ltmp4, $4  }
0x1c3: {  	s29 =	rddreg [dreg:$0x2];
	s0 =	sand.u32 $0x1FFFFFC0, s0;
	s1 =	sadd.s32 s19, s1  }
0x1c4: {  	[tilespmem:s5], [sflag:$0x2] =	stream.strided.gather [hbm4b:s1+s2], $0x2000, s4, s2, $0x38;
	[tilespmem:$0x1EE00] =	vst v63  }
0x1c5: {  	s17 =	sadd.s32 $0x1, s17;
	s0 =	sadd.s32 s29, s0  }
0x1c6: {  	[tilespmem:s24], [sflag:$0x2] =	stream.linear.gather [hbm4b:s0+s6], $0x200, $0x38;
	[tilespmem:$0x1EE00] =	vst v63  }
.LBB2_10:
0x1c7: {  	_ =	swait.ge [sflag:s26], $0x2000  }
0x1c8: {  	[sflag:s26] =	ssyncset.done $0x0  }
0x1c9: {  	[sflag:s26] =	ssyncadd.s32 $0xFFFFE000  }
0x1ca: {  	_ =	swait.ge [sflag:s26], $0x200  }
0x1cb: {  	[sflag:s26] =	ssyncset.done $0x0  }
0x1cc: {  	s20 =	simm.s32 $0x4;
	[sflag:s26] =	ssyncadd.s32 $0xFFFFFE00  }
0x1cd: {  	_ =	swait.ge [sflag:s20], $0x8000  }
0x1ce: {  	[sflag:s20] =	ssyncset.done $0x0  }
0x1cf: {  	s0 =	simm.s32 $0x820;
	[sflag:s20] =	ssyncadd.s32 $0xFFFF8000  }
0x1d0: {  	v6 =	vld [tilespmem:s0+$0xFFFFFFE0]  }
0x1d1: {  	v5 =	vld [tilespmem:s0+$0x10]  }
0x1d2: {  	s1 =	simm.s32 $0x0;
	s2 =	simm.s32 $0x3  }
0x1d3: {  	s13 =	simm.s32 $0x1;
	s4 =	simm.s32 $0x2;
	v8 =	vmov s1;
	v10 =	vmov s2;
	v7 =	vld [tilespmem:s0+$0x0]  }
0x1d4: {  	v12 =	vmov s13;
	v14 =	vmov s4;
	v8 =	vand.u32 $0xFFFFFFFC, v8;
	v9 =	vld [tilespmem:s0+$0xFFFFFFF0]  }
0x1d5: {  	v14 =	vand.u32 $0xFFFFFFFE, v14;
	v8 =	vbroadcast v8, $0x0;
	v6 =	vshll.u32 v6, $0x2  }
0x1d6: {  	v14 =	vbroadcast v14, $0x0;
	v5 =	vshll.u32 v5, $0x2;
	v11 =	vperm.xlane v6, v1  }
0x1d7: {  	v12 =	vand.u32 $0xFFFFFFFD, v12;
	v13 =	vperm.xlane v5, v1  }
0x1d8: {  	v12 =	vbroadcast v12, $0x0;
	v7 =	vshll.u32 v7, $0x2;
	v11 =	vadd.s32 v0, v11  }
0x1d9: {  	v9 =	vshll.u32 v9, $0x2;
	v15 =	vperm.xlane v7, v1;
	v13 =	vadd.s32 v0, v13  }
0x1da: {  	v19 =	vld.idx.msk [tilespmem:v10+s22+$0x0], $0xffff;
	v10 =	vperm.xlane v9, v1  }
0x1db: {  	v16 =	vld.idx.msk [tilespmem:v8+s22+$0x0], $0xffff;
	v15 =	vadd.s32 v0, v15  }
0x1dc: {  	v18 =	vld.idx.msk [tilespmem:v14+s22+$0x0], $0xffff;
	v8 =	vadd.s32 v0, v10  }
0x1dd: {  	v10 =	vld.idx.msk [tilespmem:v11+s6+$0x0], $0xffff  }
0x1de: {  	v13 =	vld.idx.msk [tilespmem:v13+s6+$0x0], $0xffff  }
0x1df: {  	v17 =	vld.idx.msk [tilespmem:v12+s22+$0x0], $0xffff;
	v11 =	vperm.xlane v6, v2  }
0x1e0: {  	s14 =	simm.s32 $0x0;
	s7 =	simm.s32 $0x5;
	v14 =	vperm.xlane v5, v2;
	v15 =	vld.idx.msk [tilespmem:v15+s6+$0x0], $0xffff  }
0x1e1: {  	s15 =	simm.s32 $0x600;
	v26 =	vmov s7;
	s0 =	sand.u32 $0x1E000, s14;
	v12 =	vperm.xlane v7, v2;
	v8 =	vld.idx.msk [tilespmem:v8+s6+$0x0], $0xffff;
	v11 =	vadd.s32 v0, v11  }
0x1e2: {  	s16 =	simm.s32 $0x1000;
	s1 =	sand.u32 $0x380, s1;
	s0 =	sshrl.u32 s0, $0x2;
	v22 =	vperm.xlane v9, v2;
	v14 =	vadd.s32 v0, v14;
	v10 =	vmul.f32 v10, v16  }
0x1e3: {  	s5 =	simm.s32 $0x860;
	s17 =	sand.u32 $0x7C00, s15;
	s11 =	sor.u32 s1, s0;
	v20 =	vperm.xlane v5, v3;
	v12 =	vadd.s32 v0, v12;
	v13 =	vmul.f32 v13, v19  }
0x1e4: {  	s18 =	sand.u32 $0x1F000, s16;
	s7 =	sor.u32 s1, s17;
	v25 =	vld [tilespmem:s5+$0x10];
	v24 =	vperm.xlane v7, v3;
	v27 =	vperm.xlane v7, v4;
	v7 =	vadd.s32 v0, v22;
	[tilespmem:s11+$0x6E00] =	vst v10  }
0x1e5: {  	s23 =	simm.s32 $0x0;
	s21 =	sshrl.u32 s18, $0x2;
	v15 =	vmul.f32 v15, v18;
	[tilespmem:s7+$0x6E40] =	vst v13;
	v13 =	vperm.xlane v5, v4;
	v5 =	vld [tilespmem:s5+$0xFFFFFFE0]  }
0x1e6: {  	s28 =	simm.s32 $0x6;
	s25 =	sand.u32 $0x7800, s23;
	s14 =	sor.u32 s1, s21;
	v21 =	vperm.xlane v6, v3;
	v8 =	vmul.f32 v8, v17;
	v10 =	vand.u32 $0xFFFFFFFD, v26;
	v11 =	vld.idx.msk [tilespmem:v11+s6+$0x0], $0xffff  }
0x1e7: {  	s10 =	sor.u32 s1, s25;
	s1 =	simm.s32 $0x4;
	v22 =	vperm.xlane v6, v4;
	[tilespmem:s14+$0x6E00] =	vst v15;
	v15 =	vmov s28;
	v6 =	vbroadcast v10, $0x0;
	v10 =	vld.idx.msk [tilespmem:v14+s6+$0x0], $0xffff  }
0x1e8: {  	s29 =	simm.s32 $0x7;
	[tilespmem:s10+$0x6E40] =	vst v8;
	v8 =	vadd.s32 v0, v20;
	v20 =	vmov s1;
	v12 =	vld.idx.msk [tilespmem:v12+s6+$0x0], $0xffff;
	v15 =	vand.u32 $0xFFFFFFFE, v15  }
0x1e9: {  	v14 =	vshll.u32 v25, $0x2;
	v25 =	vmov s29;
	v29 =	vld.idx.msk [tilespmem:v7+s6+$0x0], $0xffff;
	v15 =	vbroadcast v15, $0x0  }
0x1ea: {  	v7 =	vand.u32 $0xFFFFFFFC, v20;
	v20 =	vld [tilespmem:s5+$0xFFFFFFF0]  }
0x1eb: {  	v23 =	vperm.xlane v9, v3;
	v9 =	vperm.xlane v9, v4;
	v21 =	vadd.s32 v0, v21  }
0x1ec: {  	v28 =	vld [tilespmem:s5+$0x0];
	v24 =	vadd.s32 v0, v24;
	v26 =	vperm.xlane v14, v1;
	v11 =	vmul.f32 v11, v16  }
0x1ed: {  	v30 =	vbroadcast v7, $0x0;
	v31 =	vshll.u32 v5, $0x2;
	v7 =	vmul.f32 v10, v19;
	v5 =	vld.idx.msk [tilespmem:v6+s22+$0x0], $0xffff  }
0x1ee: {  	v32 =	vperm.xlane v14, v3;
	v10 =	vperm.xlane v31, v1;
	v6 =	vld.idx.msk [tilespmem:v25+s22+$0x0], $0xffff;
	[tilespmem:s11+$0x6E10] =	vst v11  }
0x1ef: {  	v12 =	vmul.f32 v12, v18;
	v20 =	vshll.u32 v20, $0x2;
	v11 =	vadd.s32 v0, v23;
	[tilespmem:s7+$0x6E50] =	vst v7;
	v7 =	vld.idx.msk [tilespmem:v15+s22+$0x0], $0xffff  }
0x1f0: {  	v25 =	vadd.s32 v0, v26;
	v33 =	vperm.xlane v20, v1;
	v10 =	vadd.s32 v0, v10;
	v21 =	vld.idx.msk [tilespmem:v21+s6+$0x0], $0xffff  }
0x1f1: {  	v34 =	vperm.xlane v20, v2;
	v23 =	vshll.u32 v28, $0x2;
	v28 =	vmul.f32 v29, v17;
	[tilespmem:s14+$0x6E10] =	vst v12;
	v26 =	vld.idx.msk [tilespmem:v8+s6+$0x0], $0xffff  }
0x1f2: {  	v12 =	vperm.xlane v31, v2;
	v15 =	vperm.xlane v23, v1;
	v24 =	vld.idx.msk [tilespmem:v24+s6+$0x0], $0xffff  }
0x1f3: {  	v29 =	vperm.xlane v31, v3;
	v8 =	vld.idx.msk [tilespmem:v30+s22+$0x0], $0xffff;
	v33 =	vadd.s32 v0, v33;
	[tilespmem:s10+$0x6E50] =	vst v28  }
0x1f4: {  	v30 =	vadd.s32 v0, v13;
	v13 =	vperm.xlane v20, v3;
	v15 =	vadd.s32 v0, v15;
	v35 =	vld.idx.msk [tilespmem:v11+s6+$0x0], $0xffff  }
0x1f5: {  	v22 =	vadd.s32 v0, v22;
	v36 =	vperm.xlane v23, v3;
	v28 =	vperm.xlane v23, v2;
	v37 =	vld.idx.msk [tilespmem:v10+s6+$0x0], $0xffff  }
0x1f6: {  	s18 =	simm.s32 $0x8A0;
	v10 =	vperm.xlane v23, v4;
	v23 =	vld.idx.msk [tilespmem:v25+s6+$0x0], $0xffff;
	v11 =	vmul.f32 v26, v19  }
0x1f7: {  	v25 =	vadd.s32 v0, v27;
	v27 =	vadd.s32 v0, v9;
	v21 =	vmul.f32 v21, v16;
	v26 =	vld [tilespmem:s18+$0x10]  }
0x1f8: {  	v9 =	vperm.xlane v31, v4;
	v24 =	vmul.f32 v24, v18;
	v33 =	vld.idx.msk [tilespmem:v33+s6+$0x0], $0xffff;
	[tilespmem:s7+$0x6E60] =	vst v11  }
0x1f9: {  	s2 =	simm.s32 $0x2000;
	s4 =	simm.s32 $0x9;
	v31 =	vadd.s32 v0, v12;
	v38 =	vld.idx.msk [tilespmem:v15+s6+$0x0], $0xffff;
	v15 =	vperm.xlane v14, v2;
	[tilespmem:s11+$0x6E20] =	vst v21  }
0x1fa: {  	s0 =	simm.s32 $0x8;
	s5 =	sand.u32 $0x1E000, s2;
	v11 =	vperm.xlane v20, v4;
	[tilespmem:s14+$0x6E20] =	vst v24;
	v61 =	vld.idx.msk [tilespmem:v22+s6+$0x0], $0xffff;
	v22 =	vmov s4;
	v20 =	vmul.f32 v35, v17  }
0x1fb: {  	s8 =	sand.u32 $0x380, s0;
	s15 =	sshrl.u32 s5, $0x2;
	v30 =	vld.idx.msk [tilespmem:v30+s6+$0x0], $0xffff;
	v39 =	vadd.s32 v0, v15;
	v15 =	vperm.xlane v14, v4;
	v14 =	vmul.f32 v37, v8  }
0x1fc: {  	s21 =	simm.s32 $0x3000;
	s2 =	simm.s32 $0xE00;
	s13 =	sor.u32 s8, s15;
	v60 =	vld.idx.msk [tilespmem:v25+s6+$0x0], $0xffff;
	v22 =	vand.u32 $0xFFFFFFFD, v22;
	v12 =	vshll.u32 v26, $0x2;
	v26 =	vadd.s32 v0, v28;
	[tilespmem:s10+$0x6E60] =	vst v20  }
0x1fd: {  	s17 =	sand.u32 $0x1F000, s21;
	s16 =	sand.u32 $0x7C00, s2;
	v21 =	vmul.f32 v23, v6;
	v25 =	vbroadcast v22, $0x0;
	[tilespmem:s13+$0x6E00] =	vst v14;
	v40 =	vld.idx.msk [tilespmem:v27+s6+$0x0], $0xffff  }
0x1fe: {  	s23 =	simm.s32 $0x800;
	s1 =	sshrl.u32 s17, $0x2;
	s12 =	sor.u32 s8, s16;
	v34 =	vadd.s32 v0, v34;
	v20 =	vperm.xlane v12, v1;
	v24 =	vld.idx.msk [tilespmem:v31+s6+$0x0], $0xffff;
	v28 =	vmul.f32 v38, v7  }
0x1ff: {  	s25 =	sand.u32 $0x7800, s23;
	s28 =	simm.s32 $0xA;
	s17 =	sor.u32 s8, s1;
	v14 =	vperm.xlane v12, v3;
	[tilespmem:s12+$0x6E40] =	vst v21;
	v27 =	vld [tilespmem:s18+$0xFFFFFFE0];
	v31 =	vmul.f32 v33, v5  }
0x200: {  	v62 =	vmov s28;
	s29 =	simm.s32 $0x8;
	s15 =	simm.s32 $0xB;
	s8 =	sor.u32 s8, s25;
	v21 =	vadd.s32 v0, v32;
	v30 =	vmul.f32 v30, v19;
	v23 =	vld.idx.msk [tilespmem:v39+s6+$0x0], $0xffff;
	[tilespmem:s17+$0x6E00] =	vst v28  }
0x201: {  	v32 =	vmov s29;
	v28 =	vmov s15;
	v63 =	vmul.f32 v60, v18;
	[tilespmem:s8+$0x6E40] =	vst v31;
	v22 =	vld.idx.msk [tilespmem:v26+s6+$0x0], $0xffff  }
0x202: {  	v18 =	vand.u32 $0xFFFFFFFE, v62;
	v31 =	vmul.f32 v61, v16;
	[tilespmem:s7+$0x6E70] =	vst v30;
	v30 =	vld [tilespmem:s18+$0x0];
	v26 =	vadd.s32 v0, v29  }
0x203: {  	v19 =	vadd.s32 v0, v36;
	s7 =	simm.s32 $0xC;
	v29 =	vbroadcast v18, $0x0;
	v18 =	vld.idx.msk [tilespmem:v34+s6+$0x0], $0xffff;
	[tilespmem:s14+$0x6E30] =	vst v63;
	v17 =	vmul.f32 v40, v17  }
.LBB2_11:
0x204: {  	p0 =	slt.u32 s7, $0x1FC;
	v16 =	vand.u32 $0xFFFFFFFC, v32;
	v32 =	vld [tilespmem:s18+$0xFFFFFFF0];
	v24 =	vmul.f32 v24, v8;
	v33 =	vadd.s32 v0, v13;
	[tilespmem:s11+$0x6E30] =	vst v31;
	s14 =	smov.u32 s7;
	s7 =	sadd.s32 $0x4, s7  }
0x205: {  	v23 =	vmul.f32 v23, v6;
	s11 =	smov.u32 s13;
	s1 =	sadd.s32 $0x1, s14;
	v13 =	vbroadcast v16, $0x0;
	v27 =	vshll.u32 v27, $0x2;
	v16 =	vld.idx.msk [tilespmem:v25+s22+$0x0], $0xffff;
	[tilespmem:s10+$0x6E70] =	vst v17;
	s10 =	smov.u32 s8  }
0x206: {  	v17 =	vmov s1;
	v25 =	vperm.xlane v27, v1;
	v31 =	vperm.xlane v27, v2;
	v28 =	vld.idx.msk [tilespmem:v28+s22+$0x0], $0xffff;
	[tilespmem:s11+$0x6E10] =	vst v24  }
0x207: {  	v34 =	vperm.xlane v27, v3;
	v22 =	vmul.f32 v22, v7;
	v24 =	vld.idx.msk [tilespmem:v26+s6+$0x0], $0xffff;
	[tilespmem:s12+$0x6E50] =	vst v23  }
0x208: {  	v20 =	vadd.s32 v0, v20;
	v23 =	vadd.s32 v0, v25;
	v25 =	vshll.u32 v30, $0x2;
	v21 =	vld.idx.msk [tilespmem:v21+s6+$0x0], $0xffff  }
0x209: {  	v18 =	vmul.f32 v18, v5;
	v26 =	vshll.u32 v32, $0x2;
	v29 =	vld.idx.msk [tilespmem:v29+s22+$0x0], $0xffff;
	v30 =	vperm.xlane v25, v1;
	[tilespmem:s17+$0x6E10] =	vst v22  }
0x20a: {  	v35 =	vadd.s32 v0, v15;
	v32 =	vperm.xlane v25, v2;
	v22 =	vperm.xlane v26, v1;
	v19 =	vld.idx.msk [tilespmem:v19+s6+$0x0], $0xffff  }
0x20b: {  	v37 =	vperm.xlane v26, v2;
	v36 =	vld.idx.msk [tilespmem:v13+s22+$0x0], $0xffff;
	v15 =	vadd.s32 v0, v30;
	[tilespmem:s10+$0x6E50] =	vst v18  }
0x20c: {  	v13 =	vperm.xlane v26, v3;
	v18 =	vadd.s32 v0, v22;
	v22 =	vperm.xlane v25, v3;
	v30 =	vld.idx.msk [tilespmem:v33+s6+$0x0], $0xffff  }
0x20d: {  	v25 =	vperm.xlane v25, v4;
	v24 =	vmul.f32 v24, v8;
	v23 =	vld.idx.msk [tilespmem:v23+s6+$0x0], $0xffff  }
0x20e: {  	s18 =	sadd.s32 $0x40, s18;
	v26 =	vperm.xlane v26, v4;
	v33 =	vadd.s32 v0, v10;
	v40 =	vmul.f32 v21, v6;
	v20 =	vld.idx.msk [tilespmem:v20+s6+$0x0], $0xffff  }
0x20f: {  	v21 =	vld [tilespmem:s18+$0x10];
	[tilespmem:s11+$0x6E20] =	vst v24;
	v24 =	vadd.s32 v0, v9;
	v9 =	vperm.xlane v27, v4;
	v27 =	vadd.s32 v0, v11  }
0x210: {  	v39 =	vperm.xlane v12, v2;
	s21 =	sadd.s32 $0x2000, s21;
	v10 =	vmov v25;
	v19 =	vmul.f32 v19, v7;
	v38 =	vld.idx.msk [tilespmem:v15+s6+$0x0], $0xffff;
	[tilespmem:s12+$0x6E60] =	vst v40  }
0x211: {  	s1 =	sadd.s32 $0xFFFFF000, s21;
	v25 =	vadd.s32 v0, v31;
	v11 =	vmov v26;
	v15 =	vperm.xlane v12, v4;
	v31 =	vld.idx.msk [tilespmem:v35+s6+$0x0], $0xffff  }
0x212: {  	s0 =	sadd.s32 $0x8, s0;
	s1 =	sand.u32 $0x1E000, s1;
	v26 =	vadd.s32 v0, v39;
	v30 =	vmul.f32 v30, v5;
	v18 =	vld.idx.msk [tilespmem:v18+s6+$0x0], $0xffff;
	[tilespmem:s17+$0x6E20] =	vst v19  }
0x213: {  	s2 =	sadd.s32 $0x800, s2;
	s4 =	sand.u32 $0x380, s0;
	s1 =	sshrl.u32 s1, $0x2;
	v19 =	vmul.f32 v23, v36;
	v33 =	vld.idx.msk [tilespmem:v33+s6+$0x0], $0xffff  }
0x214: {  	s13 =	sor.u32 s4, s1;
	s1 =	sand.u32 $0x7C00, s2;
	v32 =	vadd.s32 v0, v32;
	v12 =	vshll.u32 v21, $0x2;
	v21 =	vmul.f32 v20, v28;
	v35 =	vld.idx.msk [tilespmem:v24+s6+$0x0], $0xffff;
	[tilespmem:s10+$0x6E60] =	vst v30  }
0x215: {  	s5 =	sand.u32 $0x1F000, s21;
	s1 =	sor.u32 s4, s1;
	v37 =	vadd.s32 v0, v37;
	v20 =	vperm.xlane v12, v1;
	[tilespmem:s13+$0x6E00] =	vst v19;
	v39 =	vld.idx.msk [tilespmem:v27+s6+$0x0], $0xffff  }
0x216: {  	s8 =	sadd.s32 $0xFFFFFA00, s2;
	s5 =	sshrl.u32 s5, $0x2;
	v17 =	vand.u32 $0xFFFFFFFD, v17;
	v30 =	vperm.xlane v12, v3;
	v19 =	vmul.f32 v38, v29;
	v24 =	vld.idx.msk [tilespmem:v25+s6+$0x0], $0xffff;
	[tilespmem:s1+$0x6E40] =	vst v21  }
.Ltmp5:
0x217: {  	s8 =	sand.u32 $0x7800, s8;
	s5 =	sor.u32 s4, s5;
	v25 =	vbroadcast v17, $0x0;
	v17 =	vmul.f32 v31, v6;
	v6 =	vmov v28;
	v23 =	vld.idx.msk [tilespmem:v26+s6+$0x0], $0xffff;
	(pc) =	sbr.rel @p0 .LBB2_11-.Ltmp5, $4  }
0x218: {  	s15 =	sadd.s32 $0x2, s14;
	s16 =	sadd.s32 $0x3, s14;
	s8 =	sor.u32 s4, s8;
	v21 =	vadd.s32 v0, v14;
	v18 =	vmul.f32 v18, v16;
	v27 =	vld [tilespmem:s18+$0xFFFFFFE0];
	[tilespmem:s5+$0x6E00] =	vst v19;
	v19 =	vadd.s32 v0, v22  }
0x219: {  	v28 =	vmov s16;
	v26 =	vmov s15;
	v14 =	vmovc v30;
	v33 =	vmul.f32 v33, v7;
	v7 =	vmovc v29;
	v22 =	vld.idx.msk [tilespmem:v32+s6+$0x0], $0xffff;
	[tilespmem:s12+$0x6E70] =	vst v17;
	s12 =	smov.u32 s1  }
0x21a: {  	v17 =	vand.u32 $0xFFFFFFFE, v26;
	v26 =	vadd.s32 v0, v34;
	v31 =	vmul.f32 v35, v8;
	v8 =	vmovc v36;
	v30 =	vld [tilespmem:s18+$0x0];
	[tilespmem:s8+$0x6E40] =	vst v18  }
0x21b: {  	v32 =	vmov s14;
	v29 =	vbroadcast v17, $0x0;
	v17 =	vmul.f32 v39, v5;
	v5 =	vmovc v16;
	v18 =	vld.idx.msk [tilespmem:v37+s6+$0x0], $0xffff;
	[tilespmem:s17+$0x6E30] =	vst v33;
	s17 =	smov.u32 s5  }
0x21c: {  	v16 =	vld [tilespmem:s18+$0xFFFFFFF0];
	_ =	sdelay $0x2  }
0x21d: {  	v32 =	vand.u32 $0xFFFFFFFC, v32;
	v20 =	vadd.s32 v0, v20;
	v27 =	vshll.u32 v27, $0x2  }
0x21e: {  	v32 =	vbroadcast v32, $0x0;
	v34 =	vperm.xlane v27, v1;
	v30 =	vshll.u32 v30, $0x2  }
0x21f: {  	v33 =	vperm.xlane v30, v1;
	v35 =	vshll.u32 v16, $0x2  }
0x220: {  	v28 =	vld.idx.msk [tilespmem:v28+s22+$0x0], $0xffff;
	v34 =	vadd.s32 v0, v34;
	v62 =	vperm.xlane v35, v1  }
0x221: {  	v29 =	vld.idx.msk [tilespmem:v29+s22+$0x0], $0xffff;
	v33 =	vadd.s32 v0, v33  }
0x222: {  	v16 =	vld.idx.msk [tilespmem:v25+s22+$0x0], $0xffff;
	v25 =	vadd.s32 v0, v62  }
0x223: {  	v20 =	vld.idx.msk [tilespmem:v20+s6+$0x0], $0xffff  }
0x224: {  	v36 =	vperm.xlane v12, v2;
	v32 =	vld.idx.msk [tilespmem:v32+s22+$0x0], $0xffff  }
0x225: {  	v34 =	vld.idx.msk [tilespmem:v34+s6+$0x0], $0xffff  }
0x226: {  	v63 =	vperm.xlane v27, v2;
	v36 =	vadd.s32 v0, v36;
	v33 =	vld.idx.msk [tilespmem:v33+s6+$0x0], $0xffff  }
0x227: {  	v24 =	vmul.f32 v24, v8;
	s1 =	sadd.s32 $0x2000, s21;
	s0 =	sadd.s32 $0x8, s0;
	s2 =	sadd.s32 $0x800, s2;
	v37 =	vperm.xlane v30, v2;
	v25 =	vld.idx.msk [tilespmem:v25+s6+$0x0], $0xffff  }
0x228: {  	[tilespmem:s10+$0x6E70] =	vst v17;
	s4 =	sadd.s32 $0xFFFFF000, s1;
	s5 =	sand.u32 $0x380, s0;
	s14 =	sand.u32 $0x7C00, s2;
	v41 =	vadd.s32 v0, v63;
	v40 =	vperm.xlane v35, v2;
	v20 =	vmul.f32 v20, v28  }
0x229: {  	v23 =	vmul.f32 v23, v6;
	[tilespmem:s13+$0x6E10] =	vst v24;
	s4 =	sand.u32 $0x1E000, s4;
	s0 =	sor.u32 s5, s14;
	v37 =	vadd.s32 v0, v37  }
0x22a: {  	s1 =	sand.u32 $0x1F000, s1;
	v42 =	vld.idx.msk [tilespmem:v26+s6+$0x0], $0xffff;
	s4 =	sshrl.u32 s4, $0x2;
	v17 =	vadd.s32 v0, v40;
	[tilespmem:s0+$0x6E40] =	vst v20;
	v44 =	vmul.f32 v34, v32  }
0x22b: {  	v13 =	vadd.s32 v0, v13;
	s15 =	sadd.s32 $0xFFFFFA00, s2;
	[tilespmem:s12+$0x6E50] =	vst v23;
	s1 =	sshrl.u32 s1, $0x2;
	s16 =	sor.u32 s5, s4;
	v20 =	vld.idx.msk [tilespmem:v36+s6+$0x0], $0xffff;
	v43 =	vmul.f32 v33, v29  }
0x22c: {  	v14 =	vadd.s32 v0, v14;
	s18 =	sand.u32 $0x7800, s15;
	v21 =	vld.idx.msk [tilespmem:v21+s6+$0x0], $0xffff;
	s7 =	sor.u32 s5, s1;
	[tilespmem:s16+$0x6E00] =	vst v44;
	v25 =	vmul.f32 v25, v16  }
0x22d: {  	v15 =	vadd.s32 v0, v15;
	v10 =	vadd.s32 v0, v10;
	s10 =	sor.u32 s5, s18;
	v24 =	vld.idx.msk [tilespmem:v41+s6+$0x0], $0xffff;
	[tilespmem:s7+$0x6E00] =	vst v43  }
0x22e: {  	v22 =	vmul.f32 v22, v7;
	v45 =	vperm.xlane v27, v3;
	v26 =	vld.idx.msk [tilespmem:v37+s6+$0x0], $0xffff;
	[tilespmem:s10+$0x6E40] =	vst v25  }
0x22f: {  	v9 =	vadd.s32 v0, v9;
	v46 =	vperm.xlane v30, v3;
	v18 =	vmul.f32 v18, v5;
	v17 =	vld.idx.msk [tilespmem:v17+s6+$0x0], $0xffff  }
0x230: {  	[tilespmem:s17+$0x6E10] =	vst v22;
	v50 =	vadd.s32 v0, v45;
	v47 =	vperm.xlane v35, v3;
	v20 =	vmul.f32 v20, v28  }
0x231: {  	v19 =	vld.idx.msk [tilespmem:v19+s6+$0x0], $0xffff;
	v48 =	vadd.s32 v0, v46;
	[tilespmem:s8+$0x6E50] =	vst v18;
	v52 =	vmul.f32 v21, v6  }
0x232: {  	v13 =	vld.idx.msk [tilespmem:v13+s6+$0x0], $0xffff;
	v22 =	vadd.s32 v0, v47;
	[tilespmem:s0+$0x6E50] =	vst v20;
	v24 =	vmul.f32 v24, v32  }
0x233: {  	v53 =	vperm.xlane v12, v4;
	[tilespmem:s12+$0x6E60] =	vst v52;
	v14 =	vld.idx.msk [tilespmem:v14+s6+$0x0], $0xffff;
	v26 =	vmul.f32 v26, v29  }
0x234: {  	v11 =	vadd.s32 v0, v11;
	v15 =	vld.idx.msk [tilespmem:v15+s6+$0x0], $0xffff;
	[tilespmem:s16+$0x6E10] =	vst v24;
	v17 =	vmul.f32 v17, v16  }
0x235: {  	v55 =	vperm.xlane v27, v4;
	v23 =	vmul.f32 v42, v8;
	v24 =	vld.idx.msk [tilespmem:v50+s6+$0x0], $0xffff;
	[tilespmem:s7+$0x6E10] =	vst v26  }
0x236: {  	v12 =	vadd.s32 v0, v53;
	v19 =	vmul.f32 v19, v7;
	v54 =	vld.idx.msk [tilespmem:v48+s6+$0x0], $0xffff;
	[tilespmem:s10+$0x6E50] =	vst v17  }
0x237: {  	v49 =	vperm.xlane v30, v4;
	[tilespmem:s13+$0x6E20] =	vst v23;
	v13 =	vmul.f32 v13, v5;
	v56 =	vld.idx.msk [tilespmem:v22+s6+$0x0], $0xffff  }
0x238: {  	v51 =	vperm.xlane v35, v4;
	[tilespmem:s17+$0x6E20] =	vst v19;
	v14 =	vmul.f32 v14, v28;
	v17 =	vadd.s32 v0, v55  }
0x239: {  	v18 =	vadd.s32 v0, v49;
	v9 =	vld.idx.msk [tilespmem:v9+s6+$0x0], $0xffff;
	[tilespmem:s8+$0x6E60] =	vst v13;
	v6 =	vmul.f32 v15, v6  }
0x23a: {  	v57 =	vadd.s32 v0, v51;
	v10 =	vld.idx.msk [tilespmem:v10+s6+$0x0], $0xffff;
	[tilespmem:s0+$0x6E60] =	vst v14;
	v59 =	vmul.f32 v24, v32  }
0x23b: {  	[tilespmem:s12+$0x6E70] =	vst v6;
	v12 =	vld.idx.msk [tilespmem:v12+s6+$0x0], $0xffff;
	v58 =	vmul.f32 v54, v29  }
0x23c: {  	v11 =	vld.idx.msk [tilespmem:v11+s6+$0x0], $0xffff;
	[tilespmem:s16+$0x6E20] =	vst v59;
	v60 =	vmul.f32 v56, v16  }
0x23d: {  	v62 =	vld.idx.msk [tilespmem:v17+s6+$0x0], $0xffff;
	[tilespmem:s7+$0x6E20] =	vst v58  }
0x23e: {  	v6 =	vmul.f32 v9, v8;
	v61 =	vld.idx.msk [tilespmem:v18+s6+$0x0], $0xffff;
	[tilespmem:s10+$0x6E60] =	vst v60  }
0x23f: {  	[tilespmem:s11+$0x6E30] =	vst v31;
	v7 =	vmul.f32 v10, v7;
	v63 =	vld.idx.msk [tilespmem:v57+s6+$0x0], $0xffff  }
0x240: {  	[tilespmem:s13+$0x6E30] =	vst v6;
	v6 =	vmul.f32 v12, v28  }
0x241: {  	v5 =	vmul.f32 v11, v5;
	[tilespmem:s17+$0x6E30] =	vst v7  }
0x242: {  	[tilespmem:s0+$0x6E70] =	vst v6;
	v6 =	vmul.f32 v62, v32  }
0x243: {  	[tilespmem:s8+$0x6E70] =	vst v5;
	v5 =	vmul.f32 v61, v29  }
0x244: {  	[tilespmem:s16+$0x6E30] =	vst v6;
	v7 =	vmul.f32 v63, v16  }
0x245: {  	[tilespmem:s7+$0x6E30] =	vst v5  }
0x246: {  	[tilespmem:s10+$0x6E70] =	vst v7  }
0x247: {  	s21 =	simm.s32 $0x6E00;
	s0 =	rddreg [dreg:$0xe]  }
0x248: {  	[hbm4b:s0+s6] =	stream.linear.scatter [tilespmem:s21], [sflag:$0x4], $0x8000, $0x38;
	[tilespmem:$0x1EE00] =	vst v63  }
0x249: {  	_ =	swait.ge [sflag:s20], $0x8000  }
0x24a: {  	[sflag:s20] =	ssyncset.done $0x0  }
0x24b: {  	s23 =	simm.s32 $0x5;
	[sflag:s20] =	ssyncadd.s32 $0xFFFF8000  }
0x24c: {  	_ =	swait.ge [sflag:s23], $0x8000  }
0x24d: {  	[sflag:s23] =	ssyncset.done $0x0  }
0x24e: {  	s25 =	simm.s32 $0x6;
	[sflag:s23] =	ssyncadd.s32 $0xFFFF8000  }
0x24f: {  	_ =	swait.ge [sflag:s25], $0x8000  }
0x250: {  	s28 =	rddreg [dreg:$0x10]  }
0x251: {  	s29 =	rddreg [dreg:$0xf];
	s2 =	sadd.s32 $0x1, s28  }
0x252: {  	p0 =	sne.s32 s2, s29  }
.Ltmp6:
0x253: {  	_ = 	snop;
	(pc) =	sbr.rel @p0 .LBB2_1-.Ltmp6, $3  }
0x254: {  	_ =	sdelay $0x1  }
0x255: {  	[sflag:s25] =	ssyncset.done $0x0  }
0x256: {  	[sflag:s25] =	ssyncadd.s32 $0xFFFF8000  }
0x257: {  	_ =	sfence.sel $0x180000  }
0x258: {  	[bflag:$0x0] =	sbarrier.arrive $0xFFFF  }
0x259: {  	_ =	strace $0x90000047  }
0x25a: {  	s0 =	stileid.u32;
	[bflag:$0x2] =	sbarrier.arrive $0xFFFF  }
0x25b: {  	p0 =	sne.s32 s0, $0x0;
	s0 =	rddreg [dreg:$0x4]  }
0x25c: {  	s0 =	sadd.s32 @!p0 $0x100000, s0  }
0x25d: {  	[sflag:s0] =	ssyncadd.tile.s32 @!p0 $0x1;
	_ =	shalt  }
.Lfunc_end2:
_tile_overlayer_lowered:
.L_overlay_start_2:
0x25e: {  	(tag) =	ssettag $0x2  }
0x25f: {  	s0 =	rddreg [dreg:$0x0];
	s2 =	stileid.u32  }
0x260: {  	s1 =	rddreg [dreg:$0x1];
	p0 =	sne.s32 s2, $0x0  }
0x261: {  	s3 =	rddreg [dreg:$0x2];
	[bflag:$0x3] =	sbarrier.arrive $0xFFFF;
	s2 =	simm.s32 @!p0 $0x1C07  }
0x262: {  	[timem:s3], [sflag:s2] =	dma.local @!p0 [hbm:s0], s1  }
0x263: {  	s0 =	simm.s32 @!p0 $0x7  }
0x264: {  	_ =	swait.ge @!p0 [sflag:s0], s1  }
0x265: {  	s1 =	ssub.s32 @!p0 $0x0, s1;
	[sflag:s0] =	ssyncset.done @!p0 $0x0  }
0x266: {  	[sflag:s0] =	ssyncadd.s32 @!p0 s1  }
0x267: {  	[bflag:$0x3] =	sbarrier.arrive $0xFFFF  }
0x268: {  	_ =	shalt  }

</sc_bundles>
